<compile_context>
chip_gen: v7x
topology: tpu7x:2x2x1
jax: 0.10.2.dev20260603
libtpu: 0.0.44.dev20260713+nightly
codegen_flags: <defaults>
</compile_context>

<pallas_src>
import functools

import jax
import jax.numpy as jnp
from jax import lax
from jax.experimental import pallas as pl
from jax.experimental.pallas import tpu as pltpu
from jax.experimental.pallas import tpu_sc as plsc

EMB = 128
N = 100000
NUM_ROWS = 65
NC, NS = 2, 16
NW = NC * NS
NG = N // 8
GQ, GR = divmod(NG, NW)
CNT_LO = 8 * GQ
CNT_HI = CNT_LO + 8
CH = 128
NFULL = CNT_LO // CH
TAIL = CNT_LO - NFULL * CH
NBUF = 6
NPIPE = NFULL // NBUF

_mesh = plsc.VectorSubcoreMesh(
    core_axis_name="c", subcore_axis_name="s", num_cores=NC, num_subcores=NS
)


@functools.partial(
    pl.kernel,
    out_type=jax.ShapeDtypeStruct((N, EMB), jnp.float32),
    mesh=_mesh,
    scratch_types=[
        pltpu.VMEM_SHARED((NUM_ROWS, EMB), jnp.float32),
        pltpu.VMEM((CNT_HI,), jnp.int32),
        [pltpu.VMEM((CH, EMB), jnp.float32) for _ in range(NBUF)],
        [pltpu.SemaphoreType.DMA for _ in range(NBUF)],
        [pltpu.SemaphoreType.DMA for _ in range(NBUF)],
    ],
)
def _emb_lookup(table_hbm, idx_hbm, out_hbm, table_sp, idx_v, rows, gsems, wsems):
    wid = lax.axis_index("s") * NC + lax.axis_index("c")
    base = 8 * (GQ * wid + jnp.minimum(wid, GR))
    has_extra = wid < GR

    idx_cp = pltpu.make_async_copy(
        idx_hbm.at[pl.ds(base, CNT_LO)], idx_v.at[pl.ds(0, CNT_LO)], gsems[0]
    )
    idx_cp.start()
    extra_cp = pltpu.make_async_copy(
        idx_hbm.at[pl.ds(base + CNT_LO, 8)], idx_v.at[pl.ds(CNT_LO, 8)], gsems[1]
    )

    @pl.when(has_extra)
    def _():
        extra_cp.start()

    @pl.when(lax.axis_index("s") == 0)
    def _():
        pltpu.sync_copy(table_hbm, table_sp.at[pl.ds(1, NUM_ROWS - 1)])

    idx_cp.wait()

    @pl.when(has_extra)
    def _():
        extra_cp.wait()

    plsc.subcore_barrier()

    def fire_g(j, b):
        pltpu.async_copy(
            table_sp.at[idx_v.at[pl.ds(j * CH, CH)]], rows[b], gsems[b]
        )

    def drain_g(j, b):
        pltpu.make_async_copy(
            table_sp.at[idx_v.at[pl.ds(j * CH, CH)]], rows[b], gsems[b]
        ).wait()

    def fire_w(j, b):
        pltpu.async_copy(
            rows[b], out_hbm.at[pl.ds(base + j * CH, CH)], wsems[b]
        )

    def drain_w(j, b):
        pltpu.make_async_copy(
            rows[b], out_hbm.at[pl.ds(base + j * CH, CH)], wsems[b]
        ).wait()

    for b in range(NBUF):
        fire_g(b, b)

    def step(p, carry):
        for b in range(NBUF):
            j = p * NBUF + b
            drain_g(j, b)
            fire_w(j, b)
        for b in range(NBUF):
            j = p * NBUF + b

            @pl.when(p < NPIPE - 1)
            def _():
                drain_w(j, b)
                fire_g(j + NBUF, b)

        return carry

    lax.fori_loop(0, NPIPE, step, 0)

    t0 = NFULL * CH
    drain_w((NPIPE - 1) * NBUF + 0, 0)
    pltpu.async_copy(
        table_sp.at[idx_v.at[pl.ds(t0, TAIL)]],
        rows[0].at[pl.ds(0, TAIL)],
        gsems[0],
    )
    drain_w((NPIPE - 1) * NBUF + 1, 1)

    @pl.when(has_extra)
    def _():
        pltpu.async_copy(
            table_sp.at[idx_v.at[pl.ds(CNT_LO, 8)]],
            rows[1].at[pl.ds(0, 8)],
            gsems[1],
        )

    for b in range(2, NBUF):
        drain_w((NPIPE - 1) * NBUF + b, b)

    pltpu.make_async_copy(
        table_sp.at[idx_v.at[pl.ds(t0, TAIL)]],
        rows[0].at[pl.ds(0, TAIL)],
        gsems[0],
    ).wait()
    pltpu.sync_copy(
        rows[0].at[pl.ds(0, TAIL)], out_hbm.at[pl.ds(base + t0, TAIL)]
    )

    @pl.when(has_extra)
    def _():
        pltpu.make_async_copy(
            table_sp.at[idx_v.at[pl.ds(CNT_LO, 8)]],
            rows[1].at[pl.ds(0, 8)],
            gsems[1],
        ).wait()
        pltpu.sync_copy(
            rows[1].at[pl.ds(0, 8)], out_hbm.at[pl.ds(base + CNT_LO, 8)]
        )


def kernel(Z, W):
    return _emb_lookup(W, Z.astype(jnp.int32))

# --- scband reference (transcript-rebuilt; emitter-appended) ---
"""Pipeline reference for scband-atom-embedding-17978733101108 (READ-ONLY COPY).

The authoritative reference and input builder live on the scoring server;
editing this copy changes nothing except your own understanding.
"""

import jax, jax.numpy as jnp
import numpy as np

EMB_SIZE = 128
NUM_TYPES = 64
N_ATOMS = 100000

def setup_inputs(seed: int = 0) -> dict:
    key = jax.random.key(seed)
    k_z, k_w = jax.random.split(key)
    # Atomic numbers Z in [1, 64] (module computes Z - 1 as the index)
    Z = jax.random.randint(k_z, (N_ATOMS,), 1, NUM_TYPES + 1, dtype=jnp.int64) if jax.config.jax_enable_x64 else jax.random.randint(k_z, (N_ATOMS,), 1, NUM_TYPES + 1, dtype=jnp.int32)
    # Embedding table initialized uniform(-sqrt(3), sqrt(3)) like the torch module
    s = np.sqrt(3.0)
    W = jax.random.uniform(k_w, (NUM_TYPES, EMB_SIZE), dtype=jnp.float32, minval=-s, maxval=s)
    return {"Z": Z, "W": W}

def reference(Z, W):
    # h = embeddings(Z - 1)
    h = jnp.take(W, Z - 1, axis=0)
    return h

if __name__ == "__main__":
    import jax
    _d = setup_inputs()
    print(jax.jit(kernel)(*tuple(_d.values())))

</pallas_src>

<mosaic_0001>
#map = affine_map<(d0, d1) -> (0, 0)>
#map1 = affine_map<(d0, d1) -> (0)>
module attributes {stable_mosaic.version = 14 : i64} {
  func.func @_emb_lookup(%arg0: i32, %arg1: i32, %arg2: memref<64x128xf32, #tpu.memory_space<hbm>>, %arg3: memref<100000xi32, #tpu.memory_space<hbm>>, %arg4: memref<100000x128xf32, #tpu.memory_space<hbm>>, %arg5: memref<65x128xf32, #tpu.memory_space<vmem_shared>>, %arg6: memref<3128xi32, #tpu.memory_space<vmem>>, %arg7: memref<128x128xf32, #tpu.memory_space<vmem>>, %arg8: memref<128x128xf32, #tpu.memory_space<vmem>>, %arg9: memref<128x128xf32, #tpu.memory_space<vmem>>, %arg10: memref<128x128xf32, #tpu.memory_space<vmem>>, %arg11: memref<128x128xf32, #tpu.memory_space<vmem>>, %arg12: memref<128x128xf32, #tpu.memory_space<vmem>>, %arg13: memref<!tpu.dma_semaphore, #tpu.memory_space<semaphore_mem>>, %arg14: memref<!tpu.dma_semaphore, #tpu.memory_space<semaphore_mem>>, %arg15: memref<!tpu.dma_semaphore, #tpu.memory_space<semaphore_mem>>, %arg16: memref<!tpu.dma_semaphore, #tpu.memory_space<semaphore_mem>>, %arg17: memref<!tpu.dma_semaphore, #tpu.memory_space<semaphore_mem>>, %arg18: memref<!tpu.dma_semaphore, #tpu.memory_space<semaphore_mem>>, %arg19: memref<!tpu.dma_semaphore, #tpu.memory_space<semaphore_mem>>, %arg20: memref<!tpu.dma_semaphore, #tpu.memory_space<semaphore_mem>>, %arg21: memref<!tpu.dma_semaphore, #tpu.memory_space<semaphore_mem>>, %arg22: memref<!tpu.dma_semaphore, #tpu.memory_space<semaphore_mem>>, %arg23: memref<!tpu.dma_semaphore, #tpu.memory_space<semaphore_mem>>, %arg24: memref<!tpu.dma_semaphore, #tpu.memory_space<semaphore_mem>>) attributes {dimension_semantics = [#tpu.dimension_semantics<core_parallel>, #tpu.dimension_semantics<subcore_parallel>], iteration_bounds = array<i64: 2, 16>, scalar_prefetch = 0 : i64, scratch_operands = 20 : i64, tpu.core_type = #tpu.core_type<sc_vector_subcore>, window_params = [{transform_indices = #map}, {transform_indices = #map1}, {transform_indices = #map}]} {
    %mul3A = arith.constant 2 : i32
    %mul3A_0 = arith.muli %arg1, %mul3A : i32
    %add3A = arith.addi %mul3A_0, %arg0 : i32
    %mul3A_1 = arith.constant 390 : i32
    %mul3A_2 = arith.muli %mul3A_1, %add3A : i32
    %min3A = arith.constant 20 : i32
    %min3A_3 = arith.minsi %add3A, %min3A : i32
    %add3A_4 = arith.addi %mul3A_2, %min3A_3 : i32
    %mul3A_5 = arith.constant 8 : i32
    %mul3A_6 = arith.muli %mul3A_5, %add3A_4 : i32
    %lt3A = arith.constant 20 : i32
    %lt3A_7 = arith.cmpi slt, %add3A, %lt3A : i32
    %dma_start3A = arith.constant 0 : i32
    %dma_start3A_8 = tpu.memref_slice %arg6[%dma_start3A] : memref<3128xi32, #tpu.memory_space<vmem>> -> memref<3120xi32, #tpu.memory_space<vmem>>
    %dma_start3A_9 = tpu.memref_slice %arg3[%mul3A_6] : memref<100000xi32, #tpu.memory_space<hbm>> -> memref<3120xi32, #tpu.memory_space<hbm>>
    %dma_start3A_10 = arith.constant 0 : i32
    %dma_start3A_11 = tpu.memref_slice %arg6[%dma_start3A_10] : memref<3128xi32, #tpu.memory_space<vmem>> -> memref<3120xi32, #tpu.memory_space<vmem>>
    %dma_start3A_12 = tpu.memref_slice %arg3[%mul3A_6] : memref<100000xi32, #tpu.memory_space<hbm>> -> memref<3120xi32, #tpu.memory_space<hbm>>
    tpu.enqueue_dma source(%dma_start3A_12 : memref<3120xi32, #tpu.memory_space<hbm>>) target(%dma_start3A_11 : memref<3120xi32, #tpu.memory_space<vmem>>) target_semaphore(%arg13 : memref<!tpu.dma_semaphore, #tpu.memory_space<semaphore_mem>>)
    %add3A_13 = arith.constant 3120 : i32
    %add3A_14 = arith.addi %mul3A_6, %add3A_13 : i32
    %convert_element_type3A = arith.extui %lt3A_7 : i1 to i32
    %cond3A = arith.constant 0 : i32
    %cond3A_15 = arith.cmpi ne, %convert_element_type3A, %cond3A : i32
    scf.if %cond3A_15 {
      %dma_start3A_123 = arith.constant 3120 : i32
      %dma_start3A_124 = tpu.memref_slice %arg6[%dma_start3A_123] : memref<3128xi32, #tpu.memory_space<vmem>> -> memref<8xi32, #tpu.memory_space<vmem>>
      %dma_start3A_125 = tpu.memref_slice %arg3[%add3A_14] : memref<100000xi32, #tpu.memory_space<hbm>> -> memref<8xi32, #tpu.memory_space<hbm>>
      %dma_start3A_126 = arith.constant 3120 : i32
      %dma_start3A_127 = tpu.memref_slice %arg6[%dma_start3A_126] : memref<3128xi32, #tpu.memory_space<vmem>> -> memref<8xi32, #tpu.memory_space<vmem>>
      %dma_start3A_128 = tpu.memref_slice %arg3[%add3A_14] : memref<100000xi32, #tpu.memory_space<hbm>> -> memref<8xi32, #tpu.memory_space<hbm>>
      tpu.enqueue_dma source(%dma_start3A_128 : memref<8xi32, #tpu.memory_space<hbm>>) target(%dma_start3A_127 : memref<8xi32, #tpu.memory_space<vmem>>) target_semaphore(%arg14 : memref<!tpu.dma_semaphore, #tpu.memory_space<semaphore_mem>>)
    } else {
    }
    %eq3A = arith.constant 0 : i32
    %eq3A_16 = arith.cmpi eq, %arg1, %eq3A : i32
    %convert_element_type3A_17 = arith.extui %eq3A_16 : i1 to i32
    %cond3A_18 = arith.constant 0 : i32
    %cond3A_19 = arith.cmpi ne, %convert_element_type3A_17, %cond3A_18 : i32
    scf.if %cond3A_19 {
      "tpu.region"() ({
        %run_scoped3A = tpu.sem_alloc : memref<!tpu.dma_semaphore, #tpu.memory_space<semaphore_mem>>
        %dma_start3A_123 = arith.constant 1 : i32
        %dma_start3A_124 = arith.constant 0 : i32
        %dma_start3A_125 = tpu.memref_slice %arg5[%dma_start3A_123, %dma_start3A_124] : memref<65x128xf32, #tpu.memory_space<vmem_shared>> -> memref<64x128xf32, #tpu.memory_space<vmem_shared>>
        tpu.enqueue_dma source(%arg2 : memref<64x128xf32, #tpu.memory_space<hbm>>) target(%dma_start3A_125 : memref<64x128xf32, #tpu.memory_space<vmem_shared>>) target_semaphore(%run_scoped3A : memref<!tpu.dma_semaphore, #tpu.memory_space<semaphore_mem>>)
        %dma_wait3A_126 = arith.constant 1 : i32
        %dma_wait3A_127 = arith.constant 0 : i32
        %dma_wait3A_128 = tpu.memref_slice %arg5[%dma_wait3A_126, %dma_wait3A_127] : memref<65x128xf32, #tpu.memory_space<vmem_shared>> -> memref<64x128xf32, #tpu.memory_space<vmem_shared>>
        tpu.wait_dma2 semaphore(%run_scoped3A : memref<!tpu.dma_semaphore, #tpu.memory_space<semaphore_mem>>) src(%arg2 : memref<64x128xf32, #tpu.memory_space<hbm>>) dst(%dma_wait3A_128 : memref<64x128xf32, #tpu.memory_space<vmem_shared>>)
        tpu.yield
      }) : () -> ()
    } else {
    }
    %dma_wait3A = arith.constant 0 : i32
    %dma_wait3A_20 = tpu.memref_slice %arg6[%dma_wait3A] : memref<3128xi32, #tpu.memory_space<vmem>> -> memref<3120xi32, #tpu.memory_space<vmem>>
    %dma_wait3A_21 = tpu.memref_slice %arg3[%mul3A_6] : memref<100000xi32, #tpu.memory_space<hbm>> -> memref<3120xi32, #tpu.memory_space<hbm>>
    %dma_wait3A_22 = arith.constant 0 : i32
    %dma_wait3A_23 = tpu.memref_slice %arg6[%dma_wait3A_22] : memref<3128xi32, #tpu.memory_space<vmem>> -> memref<3120xi32, #tpu.memory_space<vmem>>
    %dma_wait3A_24 = tpu.memref_slice %arg3[%mul3A_6] : memref<100000xi32, #tpu.memory_space<hbm>> -> memref<3120xi32, #tpu.memory_space<hbm>>
    tpu.wait_dma2 semaphore(%arg13 : memref<!tpu.dma_semaphore, #tpu.memory_space<semaphore_mem>>) src(%dma_wait3A_24 : memref<3120xi32, #tpu.memory_space<hbm>>) dst(%dma_wait3A_23 : memref<3120xi32, #tpu.memory_space<vmem>>)
    %convert_element_type3A_25 = arith.extui %lt3A_7 : i1 to i32
    %cond3A_26 = arith.constant 0 : i32
    %cond3A_27 = arith.cmpi ne, %convert_element_type3A_25, %cond3A_26 : i32
    scf.if %cond3A_27 {
      %dma_wait3A_123 = arith.constant 3120 : i32
      %dma_wait3A_124 = tpu.memref_slice %arg6[%dma_wait3A_123] : memref<3128xi32, #tpu.memory_space<vmem>> -> memref<8xi32, #tpu.memory_space<vmem>>
      %dma_wait3A_125 = tpu.memref_slice %arg3[%add3A_14] : memref<100000xi32, #tpu.memory_space<hbm>> -> memref<8xi32, #tpu.memory_space<hbm>>
      %dma_wait3A_126 = arith.constant 3120 : i32
      %dma_wait3A_127 = tpu.memref_slice %arg6[%dma_wait3A_126] : memref<3128xi32, #tpu.memory_space<vmem>> -> memref<8xi32, #tpu.memory_space<vmem>>
      %dma_wait3A_128 = tpu.memref_slice %arg3[%add3A_14] : memref<100000xi32, #tpu.memory_space<hbm>> -> memref<8xi32, #tpu.memory_space<hbm>>
      tpu.wait_dma2 semaphore(%arg14 : memref<!tpu.dma_semaphore, #tpu.memory_space<semaphore_mem>>) src(%dma_wait3A_128 : memref<8xi32, #tpu.memory_space<hbm>>) dst(%dma_wait3A_127 : memref<8xi32, #tpu.memory_space<vmem>>)
    } else {
    }
    %barrier3A = arith.constant 0 : index
    tpu.barrier barrier_id(%barrier3A)
    %dma_start3A_28 = arith.constant 0 : i32
    %dma_start3A_29 = tpu.memref_slice %arg6[%dma_start3A_28] : memref<3128xi32, #tpu.memory_space<vmem>> -> memref<128xi32, #tpu.memory_space<vmem>>
    %dma_start3A_30 = arith.constant 0 : i32
    %dma_start3A_31 = arith.constant 0 : i32
    %dma_start3A_32 = tpu.memref_slice %arg5[%dma_start3A_30, %dma_start3A_31] : memref<65x128xf32, #tpu.memory_space<vmem_shared>> -> memref<65x128xf32, #tpu.memory_space<vmem_shared>>
    tpu.enqueue_indirect_dma source(%dma_start3A_32 : memref<65x128xf32, #tpu.memory_space<vmem_shared>>) target(%arg7 : memref<128x128xf32, #tpu.memory_space<vmem>>) offsets(%dma_start3A_29 : memref<128xi32, #tpu.memory_space<vmem>>) semaphore(%arg13 : memref<!tpu.dma_semaphore, #tpu.memory_space<semaphore_mem>>)
    %dma_start3A_33 = arith.constant 128 : i32
    %dma_start3A_34 = tpu.memref_slice %arg6[%dma_start3A_33] : memref<3128xi32, #tpu.memory_space<vmem>> -> memref<128xi32, #tpu.memory_space<vmem>>
    %dma_start3A_35 = arith.constant 0 : i32
    %dma_start3A_36 = arith.constant 0 : i32
    %dma_start3A_37 = tpu.memref_slice %arg5[%dma_start3A_35, %dma_start3A_36] : memref<65x128xf32, #tpu.memory_space<vmem_shared>> -> memref<65x128xf32, #tpu.memory_space<vmem_shared>>
    tpu.enqueue_indirect_dma source(%dma_start3A_37 : memref<65x128xf32, #tpu.memory_space<vmem_shared>>) target(%arg8 : memref<128x128xf32, #tpu.memory_space<vmem>>) offsets(%dma_start3A_34 : memref<128xi32, #tpu.memory_space<vmem>>) semaphore(%arg14 : memref<!tpu.dma_semaphore, #tpu.memory_space<semaphore_mem>>)
    %dma_start3A_38 = arith.constant 256 : i32
    %dma_start3A_39 = tpu.memref_slice %arg6[%dma_start3A_38] : memref<3128xi32, #tpu.memory_space<vmem>> -> memref<128xi32, #tpu.memory_space<vmem>>
    %dma_start3A_40 = arith.constant 0 : i32
    %dma_start3A_41 = arith.constant 0 : i32
    %dma_start3A_42 = tpu.memref_slice %arg5[%dma_start3A_40, %dma_start3A_41] : memref<65x128xf32, #tpu.memory_space<vmem_shared>> -> memref<65x128xf32, #tpu.memory_space<vmem_shared>>
    tpu.enqueue_indirect_dma source(%dma_start3A_42 : memref<65x128xf32, #tpu.memory_space<vmem_shared>>) target(%arg9 : memref<128x128xf32, #tpu.memory_space<vmem>>) offsets(%dma_start3A_39 : memref<128xi32, #tpu.memory_space<vmem>>) semaphore(%arg15 : memref<!tpu.dma_semaphore, #tpu.memory_space<semaphore_mem>>)
    %dma_start3A_43 = arith.constant 384 : i32
    %dma_start3A_44 = tpu.memref_slice %arg6[%dma_start3A_43] : memref<3128xi32, #tpu.memory_space<vmem>> -> memref<128xi32, #tpu.memory_space<vmem>>
    %dma_start3A_45 = arith.constant 0 : i32
    %dma_start3A_46 = arith.constant 0 : i32
    %dma_start3A_47 = tpu.memref_slice %arg5[%dma_start3A_45, %dma_start3A_46] : memref<65x128xf32, #tpu.memory_space<vmem_shared>> -> memref<65x128xf32, #tpu.memory_space<vmem_shared>>
    tpu.enqueue_indirect_dma source(%dma_start3A_47 : memref<65x128xf32, #tpu.memory_space<vmem_shared>>) target(%arg10 : memref<128x128xf32, #tpu.memory_space<vmem>>) offsets(%dma_start3A_44 : memref<128xi32, #tpu.memory_space<vmem>>) semaphore(%arg16 : memref<!tpu.dma_semaphore, #tpu.memory_space<semaphore_mem>>)
    %dma_start3A_48 = arith.constant 512 : i32
    %dma_start3A_49 = tpu.memref_slice %arg6[%dma_start3A_48] : memref<3128xi32, #tpu.memory_space<vmem>> -> memref<128xi32, #tpu.memory_space<vmem>>
    %dma_start3A_50 = arith.constant 0 : i32
    %dma_start3A_51 = arith.constant 0 : i32
    %dma_start3A_52 = tpu.memref_slice %arg5[%dma_start3A_50, %dma_start3A_51] : memref<65x128xf32, #tpu.memory_space<vmem_shared>> -> memref<65x128xf32, #tpu.memory_space<vmem_shared>>
    tpu.enqueue_indirect_dma source(%dma_start3A_52 : memref<65x128xf32, #tpu.memory_space<vmem_shared>>) target(%arg11 : memref<128x128xf32, #tpu.memory_space<vmem>>) offsets(%dma_start3A_49 : memref<128xi32, #tpu.memory_space<vmem>>) semaphore(%arg17 : memref<!tpu.dma_semaphore, #tpu.memory_space<semaphore_mem>>)
    %dma_start3A_53 = arith.constant 640 : i32
    %dma_start3A_54 = tpu.memref_slice %arg6[%dma_start3A_53] : memref<3128xi32, #tpu.memory_space<vmem>> -> memref<128xi32, #tpu.memory_space<vmem>>
    %dma_start3A_55 = arith.constant 0 : i32
    %dma_start3A_56 = arith.constant 0 : i32
    %dma_start3A_57 = tpu.memref_slice %arg5[%dma_start3A_55, %dma_start3A_56] : memref<65x128xf32, #tpu.memory_space<vmem_shared>> -> memref<65x128xf32, #tpu.memory_space<vmem_shared>>
    tpu.enqueue_indirect_dma source(%dma_start3A_57 : memref<65x128xf32, #tpu.memory_space<vmem_shared>>) target(%arg12 : memref<128x128xf32, #tpu.memory_space<vmem>>) offsets(%dma_start3A_54 : memref<128xi32, #tpu.memory_space<vmem>>) semaphore(%arg18 : memref<!tpu.dma_semaphore, #tpu.memory_space<semaphore_mem>>)
    %scan3A = arith.constant 0 : i32
    %scan3A_58 = arith.constant 0 : i32
    %scan3A_59 = arith.constant 4 : i32
    %scan3A_60 = arith.addi %scan3A_58, %scan3A_59 : i32
    %scan3A_61 = arith.constant 1 : i32
    scf.for %scan3A_123 = %scan3A_58 to %scan3A_60 step %scan3A_61  : i32 {
      %mul3A_124 = arith.constant 6 : i32
      %mul3A_125 = arith.muli %scan3A_123, %mul3A_124 : i32
      %add3A_126 = arith.constant 0 : i32
      %add3A_127 = arith.addi %mul3A_125, %add3A_126 : i32
      %mul3A_128 = arith.constant 128 : i32
      %mul3A_129 = arith.muli %add3A_127, %mul3A_128 : i32
      %dma_wait3A_130 = tpu.memref_slice %arg6[%mul3A_129] : memref<3128xi32, #tpu.memory_space<vmem>> -> memref<128xi32, #tpu.memory_space<vmem>>
      %dma_wait3A_131 = arith.constant 0 : i32
      %dma_wait3A_132 = arith.constant 0 : i32
      %dma_wait3A_133 = tpu.memref_slice %arg5[%dma_wait3A_131, %dma_wait3A_132] : memref<65x128xf32, #tpu.memory_space<vmem_shared>> -> memref<65x128xf32, #tpu.memory_space<vmem_shared>>
      tpu.wait_indirect_dma semaphore(%arg13 : memref<!tpu.dma_semaphore, #tpu.memory_space<semaphore_mem>>) src(%dma_wait3A_133 : memref<65x128xf32, #tpu.memory_space<vmem_shared>>) dst(%arg7 : memref<128x128xf32, #tpu.memory_space<vmem>>)
      %mul3A_134 = arith.constant 128 : i32
      %mul3A_135 = arith.muli %add3A_127, %mul3A_134 : i32
      %add3A_136 = arith.addi %mul3A_6, %mul3A_135 : i32
      %dma_start3A_137 = arith.constant 0 : i32
      %dma_start3A_138 = tpu.memref_slice %arg4[%add3A_136, %dma_start3A_137] : memref<100000x128xf32, #tpu.memory_space<hbm>> -> memref<128x128xf32, #tpu.memory_space<hbm>>
      %dma_start3A_139 = arith.constant 0 : i32
      %dma_start3A_140 = tpu.memref_slice %arg4[%add3A_136, %dma_start3A_139] : memref<100000x128xf32, #tpu.memory_space<hbm>> -> memref<128x128xf32, #tpu.memory_space<hbm>>
      tpu.enqueue_dma source(%arg7 : memref<128x128xf32, #tpu.memory_space<vmem>>) target(%dma_start3A_140 : memref<128x128xf32, #tpu.memory_space<hbm>>) target_semaphore(%arg19 : memref<!tpu.dma_semaphore, #tpu.memory_space<semaphore_mem>>)
      %mul3A_141 = arith.constant 6 : i32
      %mul3A_142 = arith.muli %scan3A_123, %mul3A_141 : i32
      %add3A_143 = arith.constant 1 : i32
      %add3A_144 = arith.addi %mul3A_142, %add3A_143 : i32
      %mul3A_145 = arith.constant 128 : i32
      %mul3A_146 = arith.muli %add3A_144, %mul3A_145 : i32
      %dma_wait3A_147 = tpu.memref_slice %arg6[%mul3A_146] : memref<3128xi32, #tpu.memory_space<vmem>> -> memref<128xi32, #tpu.memory_space<vmem>>
      %dma_wait3A_148 = arith.constant 0 : i32
      %dma_wait3A_149 = arith.constant 0 : i32
      %dma_wait3A_150 = tpu.memref_slice %arg5[%dma_wait3A_148, %dma_wait3A_149] : memref<65x128xf32, #tpu.memory_space<vmem_shared>> -> memref<65x128xf32, #tpu.memory_space<vmem_shared>>
      tpu.wait_indirect_dma semaphore(%arg14 : memref<!tpu.dma_semaphore, #tpu.memory_space<semaphore_mem>>) src(%dma_wait3A_150 : memref<65x128xf32, #tpu.memory_space<vmem_shared>>) dst(%arg8 : memref<128x128xf32, #tpu.memory_space<vmem>>)
      %mul3A_151 = arith.constant 128 : i32
      %mul3A_152 = arith.muli %add3A_144, %mul3A_151 : i32
      %add3A_153 = arith.addi %mul3A_6, %mul3A_152 : i32
      %dma_start3A_154 = arith.constant 0 : i32
      %dma_start3A_155 = tpu.memref_slice %arg4[%add3A_153, %dma_start3A_154] : memref<100000x128xf32, #tpu.memory_space<hbm>> -> memref<128x128xf32, #tpu.memory_space<hbm>>
      %dma_start3A_156 = arith.constant 0 : i32
      %dma_start3A_157 = tpu.memref_slice %arg4[%add3A_153, %dma_start3A_156] : memref<100000x128xf32, #tpu.memory_space<hbm>> -> memref<128x128xf32, #tpu.memory_space<hbm>>
      tpu.enqueue_dma source(%arg8 : memref<128x128xf32, #tpu.memory_space<vmem>>) target(%dma_start3A_157 : memref<128x128xf32, #tpu.memory_space<hbm>>) target_semaphore(%arg20 : memref<!tpu.dma_semaphore, #tpu.memory_space<semaphore_mem>>)
      %mul3A_158 = arith.constant 6 : i32
      %mul3A_159 = arith.muli %scan3A_123, %mul3A_158 : i32
      %add3A_160 = arith.constant 2 : i32
      %add3A_161 = arith.addi %mul3A_159, %add3A_160 : i32
      %mul3A_162 = arith.constant 128 : i32
      %mul3A_163 = arith.muli %add3A_161, %mul3A_162 : i32
      %dma_wait3A_164 = tpu.memref_slice %arg6[%mul3A_163] : memref<3128xi32, #tpu.memory_space<vmem>> -> memref<128xi32, #tpu.memory_space<vmem>>
      %dma_wait3A_165 = arith.constant 0 : i32
      %dma_wait3A_166 = arith.constant 0 : i32
      %dma_wait3A_167 = tpu.memref_slice %arg5[%dma_wait3A_165, %dma_wait3A_166] : memref<65x128xf32, #tpu.memory_space<vmem_shared>> -> memref<65x128xf32, #tpu.memory_space<vmem_shared>>
      tpu.wait_indirect_dma semaphore(%arg15 : memref<!tpu.dma_semaphore, #tpu.memory_space<semaphore_mem>>) src(%dma_wait3A_167 : memref<65x128xf32, #tpu.memory_space<vmem_shared>>) dst(%arg9 : memref<128x128xf32, #tpu.memory_space<vmem>>)
      %mul3A_168 = arith.constant 128 : i32
      %mul3A_169 = arith.muli %add3A_161, %mul3A_168 : i32
      %add3A_170 = arith.addi %mul3A_6, %mul3A_169 : i32
      %dma_start3A_171 = arith.constant 0 : i32
      %dma_start3A_172 = tpu.memref_slice %arg4[%add3A_170, %dma_start3A_171] : memref<100000x128xf32, #tpu.memory_space<hbm>> -> memref<128x128xf32, #tpu.memory_space<hbm>>
      %dma_start3A_173 = arith.constant 0 : i32
      %dma_start3A_174 = tpu.memref_slice %arg4[%add3A_170, %dma_start3A_173] : memref<100000x128xf32, #tpu.memory_space<hbm>> -> memref<128x128xf32, #tpu.memory_space<hbm>>
      tpu.enqueue_dma source(%arg9 : memref<128x128xf32, #tpu.memory_space<vmem>>) target(%dma_start3A_174 : memref<128x128xf32, #tpu.memory_space<hbm>>) target_semaphore(%arg21 : memref<!tpu.dma_semaphore, #tpu.memory_space<semaphore_mem>>)
      %mul3A_175 = arith.constant 6 : i32
      %mul3A_176 = arith.muli %scan3A_123, %mul3A_175 : i32
      %add3A_177 = arith.constant 3 : i32
      %add3A_178 = arith.addi %mul3A_176, %add3A_177 : i32
      %mul3A_179 = arith.constant 128 : i32
      %mul3A_180 = arith.muli %add3A_178, %mul3A_179 : i32
      %dma_wait3A_181 = tpu.memref_slice %arg6[%mul3A_180] : memref<3128xi32, #tpu.memory_space<vmem>> -> memref<128xi32, #tpu.memory_space<vmem>>
      %dma_wait3A_182 = arith.constant 0 : i32
      %dma_wait3A_183 = arith.constant 0 : i32
      %dma_wait3A_184 = tpu.memref_slice %arg5[%dma_wait3A_182, %dma_wait3A_183] : memref<65x128xf32, #tpu.memory_space<vmem_shared>> -> memref<65x128xf32, #tpu.memory_space<vmem_shared>>
      tpu.wait_indirect_dma semaphore(%arg16 : memref<!tpu.dma_semaphore, #tpu.memory_space<semaphore_mem>>) src(%dma_wait3A_184 : memref<65x128xf32, #tpu.memory_space<vmem_shared>>) dst(%arg10 : memref<128x128xf32, #tpu.memory_space<vmem>>)
      %mul3A_185 = arith.constant 128 : i32
      %mul3A_186 = arith.muli %add3A_178, %mul3A_185 : i32
      %add3A_187 = arith.addi %mul3A_6, %mul3A_186 : i32
      %dma_start3A_188 = arith.constant 0 : i32
      %dma_start3A_189 = tpu.memref_slice %arg4[%add3A_187, %dma_start3A_188] : memref<100000x128xf32, #tpu.memory_space<hbm>> -> memref<128x128xf32, #tpu.memory_space<hbm>>
      %dma_start3A_190 = arith.constant 0 : i32
      %dma_start3A_191 = tpu.memref_slice %arg4[%add3A_187, %dma_start3A_190] : memref<100000x128xf32, #tpu.memory_space<hbm>> -> memref<128x128xf32, #tpu.memory_space<hbm>>
      tpu.enqueue_dma source(%arg10 : memref<128x128xf32, #tpu.memory_space<vmem>>) target(%dma_start3A_191 : memref<128x128xf32, #tpu.memory_space<hbm>>) target_semaphore(%arg22 : memref<!tpu.dma_semaphore, #tpu.memory_space<semaphore_mem>>)
      %mul3A_192 = arith.constant 6 : i32
      %mul3A_193 = arith.muli %scan3A_123, %mul3A_192 : i32
      %add3A_194 = arith.constant 4 : i32
      %add3A_195 = arith.addi %mul3A_193, %add3A_194 : i32
      %mul3A_196 = arith.constant 128 : i32
      %mul3A_197 = arith.muli %add3A_195, %mul3A_196 : i32
      %dma_wait3A_198 = tpu.memref_slice %arg6[%mul3A_197] : memref<3128xi32, #tpu.memory_space<vmem>> -> memref<128xi32, #tpu.memory_space<vmem>>
      %dma_wait3A_199 = arith.constant 0 : i32
      %dma_wait3A_200 = arith.constant 0 : i32
      %dma_wait3A_201 = tpu.memref_slice %arg5[%dma_wait3A_199, %dma_wait3A_200] : memref<65x128xf32, #tpu.memory_space<vmem_shared>> -> memref<65x128xf32, #tpu.memory_space<vmem_shared>>
      tpu.wait_indirect_dma semaphore(%arg17 : memref<!tpu.dma_semaphore, #tpu.memory_space<semaphore_mem>>) src(%dma_wait3A_201 : memref<65x128xf32, #tpu.memory_space<vmem_shared>>) dst(%arg11 : memref<128x128xf32, #tpu.memory_space<vmem>>)
      %mul3A_202 = arith.constant 128 : i32
      %mul3A_203 = arith.muli %add3A_195, %mul3A_202 : i32
      %add3A_204 = arith.addi %mul3A_6, %mul3A_203 : i32
      %dma_start3A_205 = arith.constant 0 : i32
      %dma_start3A_206 = tpu.memref_slice %arg4[%add3A_204, %dma_start3A_205] : memref<100000x128xf32, #tpu.memory_space<hbm>> -> memref<128x128xf32, #tpu.memory_space<hbm>>
      %dma_start3A_207 = arith.constant 0 : i32
      %dma_start3A_208 = tpu.memref_slice %arg4[%add3A_204, %dma_start3A_207] : memref<100000x128xf32, #tpu.memory_space<hbm>> -> memref<128x128xf32, #tpu.memory_space<hbm>>
      tpu.enqueue_dma source(%arg11 : memref<128x128xf32, #tpu.memory_space<vmem>>) target(%dma_start3A_208 : memref<128x128xf32, #tpu.memory_space<hbm>>) target_semaphore(%arg23 : memref<!tpu.dma_semaphore, #tpu.memory_space<semaphore_mem>>)
      %mul3A_209 = arith.constant 6 : i32
      %mul3A_210 = arith.muli %scan3A_123, %mul3A_209 : i32
      %add3A_211 = arith.constant 5 : i32
      %add3A_212 = arith.addi %mul3A_210, %add3A_211 : i32
      %mul3A_213 = arith.constant 128 : i32
      %mul3A_214 = arith.muli %add3A_212, %mul3A_213 : i32
      %dma_wait3A_215 = tpu.memref_slice %arg6[%mul3A_214] : memref<3128xi32, #tpu.memory_space<vmem>> -> memref<128xi32, #tpu.memory_space<vmem>>
      %dma_wait3A_216 = arith.constant 0 : i32
      %dma_wait3A_217 = arith.constant 0 : i32
      %dma_wait3A_218 = tpu.memref_slice %arg5[%dma_wait3A_216, %dma_wait3A_217] : memref<65x128xf32, #tpu.memory_space<vmem_shared>> -> memref<65x128xf32, #tpu.memory_space<vmem_shared>>
      tpu.wait_indirect_dma semaphore(%arg18 : memref<!tpu.dma_semaphore, #tpu.memory_space<semaphore_mem>>) src(%dma_wait3A_218 : memref<65x128xf32, #tpu.memory_space<vmem_shared>>) dst(%arg12 : memref<128x128xf32, #tpu.memory_space<vmem>>)
      %mul3A_219 = arith.constant 128 : i32
      %mul3A_220 = arith.muli %add3A_212, %mul3A_219 : i32
      %add3A_221 = arith.addi %mul3A_6, %mul3A_220 : i32
      %dma_start3A_222 = arith.constant 0 : i32
      %dma_start3A_223 = tpu.memref_slice %arg4[%add3A_221, %dma_start3A_222] : memref<100000x128xf32, #tpu.memory_space<hbm>> -> memref<128x128xf32, #tpu.memory_space<hbm>>
      %dma_start3A_224 = arith.constant 0 : i32
      %dma_start3A_225 = tpu.memref_slice %arg4[%add3A_221, %dma_start3A_224] : memref<100000x128xf32, #tpu.memory_space<hbm>> -> memref<128x128xf32, #tpu.memory_space<hbm>>
      tpu.enqueue_dma source(%arg12 : memref<128x128xf32, #tpu.memory_space<vmem>>) target(%dma_start3A_225 : memref<128x128xf32, #tpu.memory_space<hbm>>) target_semaphore(%arg24 : memref<!tpu.dma_semaphore, #tpu.memory_space<semaphore_mem>>)
      %mul3A_226 = arith.constant 6 : i32
      %mul3A_227 = arith.muli %scan3A_123, %mul3A_226 : i32
      %add3A_228 = arith.constant 0 : i32
      %add3A_229 = arith.addi %mul3A_227, %add3A_228 : i32
      %lt3A_230 = arith.constant 3 : i32
      %lt3A_231 = arith.cmpi slt, %scan3A_123, %lt3A_230 : i32
      %convert_element_type3A_232 = arith.extui %lt3A_231 : i1 to i32
      %cond3A_233 = arith.constant 0 : i32
      %cond3A_234 = arith.cmpi ne, %convert_element_type3A_232, %cond3A_233 : i32
      scf.if %cond3A_234 {
        %mul3A_280 = arith.constant 128 : i32
        %mul3A_281 = arith.muli %add3A_229, %mul3A_280 : i32
        %add3A_282 = arith.addi %mul3A_6, %mul3A_281 : i32
        %dma_wait3A_283 = arith.constant 0 : i32
        %dma_wait3A_284 = tpu.memref_slice %arg4[%add3A_282, %dma_wait3A_283] : memref<100000x128xf32, #tpu.memory_space<hbm>> -> memref<128x128xf32, #tpu.memory_space<hbm>>
        %dma_wait3A_285 = arith.constant 0 : i32
        %dma_wait3A_286 = tpu.memref_slice %arg4[%add3A_282, %dma_wait3A_285] : memref<100000x128xf32, #tpu.memory_space<hbm>> -> memref<128x128xf32, #tpu.memory_space<hbm>>
        tpu.wait_dma2 semaphore(%arg19 : memref<!tpu.dma_semaphore, #tpu.memory_space<semaphore_mem>>) src(%arg7 : memref<128x128xf32, #tpu.memory_space<vmem>>) dst(%dma_wait3A_286 : memref<128x128xf32, #tpu.memory_space<hbm>>)
        %add3A_287 = arith.constant 6 : i32
        %add3A_288 = arith.addi %add3A_229, %add3A_287 : i32
        %mul3A_289 = arith.constant 128 : i32
        %mul3A_290 = arith.muli %add3A_288, %mul3A_289 : i32
        %dma_start3A_291 = tpu.memref_slice %arg6[%mul3A_290] : memref<3128xi32, #tpu.memory_space<vmem>> -> memref<128xi32, #tpu.memory_space<vmem>>
        %dma_start3A_292 = arith.constant 0 : i32
        %dma_start3A_293 = arith.constant 0 : i32
        %dma_start3A_294 = tpu.memref_slice %arg5[%dma_start3A_292, %dma_start3A_293] : memref<65x128xf32, #tpu.memory_space<vmem_shared>> -> memref<65x128xf32, #tpu.memory_space<vmem_shared>>
        tpu.enqueue_indirect_dma source(%dma_start3A_294 : memref<65x128xf32, #tpu.memory_space<vmem_shared>>) target(%arg7 : memref<128x128xf32, #tpu.memory_space<vmem>>) offsets(%dma_start3A_291 : memref<128xi32, #tpu.memory_space<vmem>>) semaphore(%arg13 : memref<!tpu.dma_semaphore, #tpu.memory_space<semaphore_mem>>)
      } else {
      }
      %mul3A_235 = arith.constant 6 : i32
      %mul3A_236 = arith.muli %scan3A_123, %mul3A_235 : i32
      %add3A_237 = arith.constant 1 : i32
      %add3A_238 = arith.addi %mul3A_236, %add3A_237 : i32
      %lt3A_239 = arith.constant 3 : i32
      %lt3A_240 = arith.cmpi slt, %scan3A_123, %lt3A_239 : i32
      %convert_element_type3A_241 = arith.extui %lt3A_240 : i1 to i32
      %cond3A_242 = arith.constant 0 : i32
      %cond3A_243 = arith.cmpi ne, %convert_element_type3A_241, %cond3A_242 : i32
      scf.if %cond3A_243 {
        %mul3A_280 = arith.constant 128 : i32
        %mul3A_281 = arith.muli %add3A_238, %mul3A_280 : i32
        %add3A_282 = arith.addi %mul3A_6, %mul3A_281 : i32
        %dma_wait3A_283 = arith.constant 0 : i32
        %dma_wait3A_284 = tpu.memref_slice %arg4[%add3A_282, %dma_wait3A_283] : memref<100000x128xf32, #tpu.memory_space<hbm>> -> memref<128x128xf32, #tpu.memory_space<hbm>>
        %dma_wait3A_285 = arith.constant 0 : i32
        %dma_wait3A_286 = tpu.memref_slice %arg4[%add3A_282, %dma_wait3A_285] : memref<100000x128xf32, #tpu.memory_space<hbm>> -> memref<128x128xf32, #tpu.memory_space<hbm>>
        tpu.wait_dma2 semaphore(%arg20 : memref<!tpu.dma_semaphore, #tpu.memory_space<semaphore_mem>>) src(%arg8 : memref<128x128xf32, #tpu.memory_space<vmem>>) dst(%dma_wait3A_286 : memref<128x128xf32, #tpu.memory_space<hbm>>)
        %add3A_287 = arith.constant 6 : i32
        %add3A_288 = arith.addi %add3A_238, %add3A_287 : i32
        %mul3A_289 = arith.constant 128 : i32
        %mul3A_290 = arith.muli %add3A_288, %mul3A_289 : i32
        %dma_start3A_291 = tpu.memref_slice %arg6[%mul3A_290] : memref<3128xi32, #tpu.memory_space<vmem>> -> memref<128xi32, #tpu.memory_space<vmem>>
        %dma_start3A_292 = arith.constant 0 : i32
        %dma_start3A_293 = arith.constant 0 : i32
        %dma_start3A_294 = tpu.memref_slice %arg5[%dma_start3A_292, %dma_start3A_293] : memref<65x128xf32, #tpu.memory_space<vmem_shared>> -> memref<65x128xf32, #tpu.memory_space<vmem_shared>>
        tpu.enqueue_indirect_dma source(%dma_start3A_294 : memref<65x128xf32, #tpu.memory_space<vmem_shared>>) target(%arg8 : memref<128x128xf32, #tpu.memory_space<vmem>>) offsets(%dma_start3A_291 : memref<128xi32, #tpu.memory_space<vmem>>) semaphore(%arg14 : memref<!tpu.dma_semaphore, #tpu.memory_space<semaphore_mem>>)
      } else {
      }
      %mul3A_244 = arith.constant 6 : i32
      %mul3A_245 = arith.muli %scan3A_123, %mul3A_244 : i32
      %add3A_246 = arith.constant 2 : i32
      %add3A_247 = arith.addi %mul3A_245, %add3A_246 : i32
      %lt3A_248 = arith.constant 3 : i32
      %lt3A_249 = arith.cmpi slt, %scan3A_123, %lt3A_248 : i32
      %convert_element_type3A_250 = arith.extui %lt3A_249 : i1 to i32
      %cond3A_251 = arith.constant 0 : i32
      %cond3A_252 = arith.cmpi ne, %convert_element_type3A_250, %cond3A_251 : i32
      scf.if %cond3A_252 {
        %mul3A_280 = arith.constant 128 : i32
        %mul3A_281 = arith.muli %add3A_247, %mul3A_280 : i32
        %add3A_282 = arith.addi %mul3A_6, %mul3A_281 : i32
        %dma_wait3A_283 = arith.constant 0 : i32
        %dma_wait3A_284 = tpu.memref_slice %arg4[%add3A_282, %dma_wait3A_283] : memref<100000x128xf32, #tpu.memory_space<hbm>> -> memref<128x128xf32, #tpu.memory_space<hbm>>
        %dma_wait3A_285 = arith.constant 0 : i32
        %dma_wait3A_286 = tpu.memref_slice %arg4[%add3A_282, %dma_wait3A_285] : memref<100000x128xf32, #tpu.memory_space<hbm>> -> memref<128x128xf32, #tpu.memory_space<hbm>>
        tpu.wait_dma2 semaphore(%arg21 : memref<!tpu.dma_semaphore, #tpu.memory_space<semaphore_mem>>) src(%arg9 : memref<128x128xf32, #tpu.memory_space<vmem>>) dst(%dma_wait3A_286 : memref<128x128xf32, #tpu.memory_space<hbm>>)
        %add3A_287 = arith.constant 6 : i32
        %add3A_288 = arith.addi %add3A_247, %add3A_287 : i32
        %mul3A_289 = arith.constant 128 : i32
        %mul3A_290 = arith.muli %add3A_288, %mul3A_289 : i32
        %dma_start3A_291 = tpu.memref_slice %arg6[%mul3A_290] : memref<3128xi32, #tpu.memory_space<vmem>> -> memref<128xi32, #tpu.memory_space<vmem>>
        %dma_start3A_292 = arith.constant 0 : i32
        %dma_start3A_293 = arith.constant 0 : i32
        %dma_start3A_294 = tpu.memref_slice %arg5[%dma_start3A_292, %dma_start3A_293] : memref<65x128xf32, #tpu.memory_space<vmem_shared>> -> memref<65x128xf32, #tpu.memory_space<vmem_shared>>
        tpu.enqueue_indirect_dma source(%dma_start3A_294 : memref<65x128xf32, #tpu.memory_space<vmem_shared>>) target(%arg9 : memref<128x128xf32, #tpu.memory_space<vmem>>) offsets(%dma_start3A_291 : memref<128xi32, #tpu.memory_space<vmem>>) semaphore(%arg15 : memref<!tpu.dma_semaphore, #tpu.memory_space<semaphore_mem>>)
      } else {
      }
      %mul3A_253 = arith.constant 6 : i32
      %mul3A_254 = arith.muli %scan3A_123, %mul3A_253 : i32
      %add3A_255 = arith.constant 3 : i32
      %add3A_256 = arith.addi %mul3A_254, %add3A_255 : i32
      %lt3A_257 = arith.constant 3 : i32
      %lt3A_258 = arith.cmpi slt, %scan3A_123, %lt3A_257 : i32
      %convert_element_type3A_259 = arith.extui %lt3A_258 : i1 to i32
      %cond3A_260 = arith.constant 0 : i32
      %cond3A_261 = arith.cmpi ne, %convert_element_type3A_259, %cond3A_260 : i32
      scf.if %cond3A_261 {
        %mul3A_280 = arith.constant 128 : i32
        %mul3A_281 = arith.muli %add3A_256, %mul3A_280 : i32
        %add3A_282 = arith.addi %mul3A_6, %mul3A_281 : i32
        %dma_wait3A_283 = arith.constant 0 : i32
        %dma_wait3A_284 = tpu.memref_slice %arg4[%add3A_282, %dma_wait3A_283] : memref<100000x128xf32, #tpu.memory_space<hbm>> -> memref<128x128xf32, #tpu.memory_space<hbm>>
        %dma_wait3A_285 = arith.constant 0 : i32
        %dma_wait3A_286 = tpu.memref_slice %arg4[%add3A_282, %dma_wait3A_285] : memref<100000x128xf32, #tpu.memory_space<hbm>> -> memref<128x128xf32, #tpu.memory_space<hbm>>
        tpu.wait_dma2 semaphore(%arg22 : memref<!tpu.dma_semaphore, #tpu.memory_space<semaphore_mem>>) src(%arg10 : memref<128x128xf32, #tpu.memory_space<vmem>>) dst(%dma_wait3A_286 : memref<128x128xf32, #tpu.memory_space<hbm>>)
        %add3A_287 = arith.constant 6 : i32
        %add3A_288 = arith.addi %add3A_256, %add3A_287 : i32
        %mul3A_289 = arith.constant 128 : i32
        %mul3A_290 = arith.muli %add3A_288, %mul3A_289 : i32
        %dma_start3A_291 = tpu.memref_slice %arg6[%mul3A_290] : memref<3128xi32, #tpu.memory_space<vmem>> -> memref<128xi32, #tpu.memory_space<vmem>>
        %dma_start3A_292 = arith.constant 0 : i32
        %dma_start3A_293 = arith.constant 0 : i32
        %dma_start3A_294 = tpu.memref_slice %arg5[%dma_start3A_292, %dma_start3A_293] : memref<65x128xf32, #tpu.memory_space<vmem_shared>> -> memref<65x128xf32, #tpu.memory_space<vmem_shared>>
        tpu.enqueue_indirect_dma source(%dma_start3A_294 : memref<65x128xf32, #tpu.memory_space<vmem_shared>>) target(%arg10 : memref<128x128xf32, #tpu.memory_space<vmem>>) offsets(%dma_start3A_291 : memref<128xi32, #tpu.memory_space<vmem>>) semaphore(%arg16 : memref<!tpu.dma_semaphore, #tpu.memory_space<semaphore_mem>>)
      } else {
      }
      %mul3A_262 = arith.constant 6 : i32
      %mul3A_263 = arith.muli %scan3A_123, %mul3A_262 : i32
      %add3A_264 = arith.constant 4 : i32
      %add3A_265 = arith.addi %mul3A_263, %add3A_264 : i32
      %lt3A_266 = arith.constant 3 : i32
      %lt3A_267 = arith.cmpi slt, %scan3A_123, %lt3A_266 : i32
      %convert_element_type3A_268 = arith.extui %lt3A_267 : i1 to i32
      %cond3A_269 = arith.constant 0 : i32
      %cond3A_270 = arith.cmpi ne, %convert_element_type3A_268, %cond3A_269 : i32
      scf.if %cond3A_270 {
        %mul3A_280 = arith.constant 128 : i32
        %mul3A_281 = arith.muli %add3A_265, %mul3A_280 : i32
        %add3A_282 = arith.addi %mul3A_6, %mul3A_281 : i32
        %dma_wait3A_283 = arith.constant 0 : i32
        %dma_wait3A_284 = tpu.memref_slice %arg4[%add3A_282, %dma_wait3A_283] : memref<100000x128xf32, #tpu.memory_space<hbm>> -> memref<128x128xf32, #tpu.memory_space<hbm>>
        %dma_wait3A_285 = arith.constant 0 : i32
        %dma_wait3A_286 = tpu.memref_slice %arg4[%add3A_282, %dma_wait3A_285] : memref<100000x128xf32, #tpu.memory_space<hbm>> -> memref<128x128xf32, #tpu.memory_space<hbm>>
        tpu.wait_dma2 semaphore(%arg23 : memref<!tpu.dma_semaphore, #tpu.memory_space<semaphore_mem>>) src(%arg11 : memref<128x128xf32, #tpu.memory_space<vmem>>) dst(%dma_wait3A_286 : memref<128x128xf32, #tpu.memory_space<hbm>>)
        %add3A_287 = arith.constant 6 : i32
        %add3A_288 = arith.addi %add3A_265, %add3A_287 : i32
        %mul3A_289 = arith.constant 128 : i32
        %mul3A_290 = arith.muli %add3A_288, %mul3A_289 : i32
        %dma_start3A_291 = tpu.memref_slice %arg6[%mul3A_290] : memref<3128xi32, #tpu.memory_space<vmem>> -> memref<128xi32, #tpu.memory_space<vmem>>
        %dma_start3A_292 = arith.constant 0 : i32
        %dma_start3A_293 = arith.constant 0 : i32
        %dma_start3A_294 = tpu.memref_slice %arg5[%dma_start3A_292, %dma_start3A_293] : memref<65x128xf32, #tpu.memory_space<vmem_shared>> -> memref<65x128xf32, #tpu.memory_space<vmem_shared>>
        tpu.enqueue_indirect_dma source(%dma_start3A_294 : memref<65x128xf32, #tpu.memory_space<vmem_shared>>) target(%arg11 : memref<128x128xf32, #tpu.memory_space<vmem>>) offsets(%dma_start3A_291 : memref<128xi32, #tpu.memory_space<vmem>>) semaphore(%arg17 : memref<!tpu.dma_semaphore, #tpu.memory_space<semaphore_mem>>)
      } else {
      }
      %mul3A_271 = arith.constant 6 : i32
      %mul3A_272 = arith.muli %scan3A_123, %mul3A_271 : i32
      %add3A_273 = arith.constant 5 : i32
      %add3A_274 = arith.addi %mul3A_272, %add3A_273 : i32
      %lt3A_275 = arith.constant 3 : i32
      %lt3A_276 = arith.cmpi slt, %scan3A_123, %lt3A_275 : i32
      %convert_element_type3A_277 = arith.extui %lt3A_276 : i1 to i32
      %cond3A_278 = arith.constant 0 : i32
      %cond3A_279 = arith.cmpi ne, %convert_element_type3A_277, %cond3A_278 : i32
      scf.if %cond3A_279 {
        %mul3A_280 = arith.constant 128 : i32
        %mul3A_281 = arith.muli %add3A_274, %mul3A_280 : i32
        %add3A_282 = arith.addi %mul3A_6, %mul3A_281 : i32
        %dma_wait3A_283 = arith.constant 0 : i32
        %dma_wait3A_284 = tpu.memref_slice %arg4[%add3A_282, %dma_wait3A_283] : memref<100000x128xf32, #tpu.memory_space<hbm>> -> memref<128x128xf32, #tpu.memory_space<hbm>>
        %dma_wait3A_285 = arith.constant 0 : i32
        %dma_wait3A_286 = tpu.memref_slice %arg4[%add3A_282, %dma_wait3A_285] : memref<100000x128xf32, #tpu.memory_space<hbm>> -> memref<128x128xf32, #tpu.memory_space<hbm>>
        tpu.wait_dma2 semaphore(%arg24 : memref<!tpu.dma_semaphore, #tpu.memory_space<semaphore_mem>>) src(%arg12 : memref<128x128xf32, #tpu.memory_space<vmem>>) dst(%dma_wait3A_286 : memref<128x128xf32, #tpu.memory_space<hbm>>)
        %add3A_287 = arith.constant 6 : i32
        %add3A_288 = arith.addi %add3A_274, %add3A_287 : i32
        %mul3A_289 = arith.constant 128 : i32
        %mul3A_290 = arith.muli %add3A_288, %mul3A_289 : i32
        %dma_start3A_291 = tpu.memref_slice %arg6[%mul3A_290] : memref<3128xi32, #tpu.memory_space<vmem>> -> memref<128xi32, #tpu.memory_space<vmem>>
        %dma_start3A_292 = arith.constant 0 : i32
        %dma_start3A_293 = arith.constant 0 : i32
        %dma_start3A_294 = tpu.memref_slice %arg5[%dma_start3A_292, %dma_start3A_293] : memref<65x128xf32, #tpu.memory_space<vmem_shared>> -> memref<65x128xf32, #tpu.memory_space<vmem_shared>>
        tpu.enqueue_indirect_dma source(%dma_start3A_294 : memref<65x128xf32, #tpu.memory_space<vmem_shared>>) target(%arg12 : memref<128x128xf32, #tpu.memory_space<vmem>>) offsets(%dma_start3A_291 : memref<128xi32, #tpu.memory_space<vmem>>) semaphore(%arg18 : memref<!tpu.dma_semaphore, #tpu.memory_space<semaphore_mem>>)
      } else {
      }
    }
    %scan3A_62 = arith.constant 4 : i32
    %add3A_63 = arith.constant 2304 : i32
    %add3A_64 = arith.addi %mul3A_6, %add3A_63 : i32
    %dma_wait3A_65 = arith.constant 0 : i32
    %dma_wait3A_66 = tpu.memref_slice %arg4[%add3A_64, %dma_wait3A_65] : memref<100000x128xf32, #tpu.memory_space<hbm>> -> memref<128x128xf32, #tpu.memory_space<hbm>>
    %dma_wait3A_67 = arith.constant 0 : i32
    %dma_wait3A_68 = tpu.memref_slice %arg4[%add3A_64, %dma_wait3A_67] : memref<100000x128xf32, #tpu.memory_space<hbm>> -> memref<128x128xf32, #tpu.memory_space<hbm>>
    tpu.wait_dma2 semaphore(%arg19 : memref<!tpu.dma_semaphore, #tpu.memory_space<semaphore_mem>>) src(%arg7 : memref<128x128xf32, #tpu.memory_space<vmem>>) dst(%dma_wait3A_68 : memref<128x128xf32, #tpu.memory_space<hbm>>)
    %dma_start3A_69 = arith.constant 0 : i32
    %dma_start3A_70 = arith.constant 0 : i32
    %dma_start3A_71 = tpu.memref_slice %arg7[%dma_start3A_69, %dma_start3A_70] : memref<128x128xf32, #tpu.memory_space<vmem>> -> memref<48x128xf32, #tpu.memory_space<vmem>>
    %dma_start3A_72 = arith.constant 3072 : i32
    %dma_start3A_73 = tpu.memref_slice %arg6[%dma_start3A_72] : memref<3128xi32, #tpu.memory_space<vmem>> -> memref<48xi32, #tpu.memory_space<vmem>>
    %dma_start3A_74 = arith.constant 0 : i32
    %dma_start3A_75 = arith.constant 0 : i32
    %dma_start3A_76 = tpu.memref_slice %arg5[%dma_start3A_74, %dma_start3A_75] : memref<65x128xf32, #tpu.memory_space<vmem_shared>> -> memref<65x128xf32, #tpu.memory_space<vmem_shared>>
    tpu.enqueue_indirect_dma source(%dma_start3A_76 : memref<65x128xf32, #tpu.memory_space<vmem_shared>>) target(%dma_start3A_71 : memref<48x128xf32, #tpu.memory_space<vmem>>) offsets(%dma_start3A_73 : memref<48xi32, #tpu.memory_space<vmem>>) semaphore(%arg13 : memref<!tpu.dma_semaphore, #tpu.memory_space<semaphore_mem>>)
    %add3A_77 = arith.constant 2432 : i32
    %add3A_78 = arith.addi %mul3A_6, %add3A_77 : i32
    %dma_wait3A_79 = arith.constant 0 : i32
    %dma_wait3A_80 = tpu.memref_slice %arg4[%add3A_78, %dma_wait3A_79] : memref<100000x128xf32, #tpu.memory_space<hbm>> -> memref<128x128xf32, #tpu.memory_space<hbm>>
    %dma_wait3A_81 = arith.constant 0 : i32
    %dma_wait3A_82 = tpu.memref_slice %arg4[%add3A_78, %dma_wait3A_81] : memref<100000x128xf32, #tpu.memory_space<hbm>> -> memref<128x128xf32, #tpu.memory_space<hbm>>
    tpu.wait_dma2 semaphore(%arg20 : memref<!tpu.dma_semaphore, #tpu.memory_space<semaphore_mem>>) src(%arg8 : memref<128x128xf32, #tpu.memory_space<vmem>>) dst(%dma_wait3A_82 : memref<128x128xf32, #tpu.memory_space<hbm>>)
    %convert_element_type3A_83 = arith.extui %lt3A_7 : i1 to i32
    %cond3A_84 = arith.constant 0 : i32
    %cond3A_85 = arith.cmpi ne, %convert_element_type3A_83, %cond3A_84 : i32
    scf.if %cond3A_85 {
      %dma_start3A_123 = arith.constant 0 : i32
      %dma_start3A_124 = arith.constant 0 : i32
      %dma_start3A_125 = tpu.memref_slice %arg8[%dma_start3A_123, %dma_start3A_124] : memref<128x128xf32, #tpu.memory_space<vmem>> -> memref<8x128xf32, #tpu.memory_space<vmem>>
      %dma_start3A_126 = arith.constant 3120 : i32
      %dma_start3A_127 = tpu.memref_slice %arg6[%dma_start3A_126] : memref<3128xi32, #tpu.memory_space<vmem>> -> memref<8xi32, #tpu.memory_space<vmem>>
      %dma_start3A_128 = arith.constant 0 : i32
      %dma_start3A_129 = arith.constant 0 : i32
      %dma_start3A_130 = tpu.memref_slice %arg5[%dma_start3A_128, %dma_start3A_129] : memref<65x128xf32, #tpu.memory_space<vmem_shared>> -> memref<65x128xf32, #tpu.memory_space<vmem_shared>>
      tpu.enqueue_indirect_dma source(%dma_start3A_130 : memref<65x128xf32, #tpu.memory_space<vmem_shared>>) target(%dma_start3A_125 : memref<8x128xf32, #tpu.memory_space<vmem>>) offsets(%dma_start3A_127 : memref<8xi32, #tpu.memory_space<vmem>>) semaphore(%arg14 : memref<!tpu.dma_semaphore, #tpu.memory_space<semaphore_mem>>)
    } else {
    }
    %add3A_86 = arith.constant 2560 : i32
    %add3A_87 = arith.addi %mul3A_6, %add3A_86 : i32
    %dma_wait3A_88 = arith.constant 0 : i32
    %dma_wait3A_89 = tpu.memref_slice %arg4[%add3A_87, %dma_wait3A_88] : memref<100000x128xf32, #tpu.memory_space<hbm>> -> memref<128x128xf32, #tpu.memory_space<hbm>>
    %dma_wait3A_90 = arith.constant 0 : i32
    %dma_wait3A_91 = tpu.memref_slice %arg4[%add3A_87, %dma_wait3A_90] : memref<100000x128xf32, #tpu.memory_space<hbm>> -> memref<128x128xf32, #tpu.memory_space<hbm>>
    tpu.wait_dma2 semaphore(%arg21 : memref<!tpu.dma_semaphore, #tpu.memory_space<semaphore_mem>>) src(%arg9 : memref<128x128xf32, #tpu.memory_space<vmem>>) dst(%dma_wait3A_91 : memref<128x128xf32, #tpu.memory_space<hbm>>)
    %add3A_92 = arith.constant 2688 : i32
    %add3A_93 = arith.addi %mul3A_6, %add3A_92 : i32
    %dma_wait3A_94 = arith.constant 0 : i32
    %dma_wait3A_95 = tpu.memref_slice %arg4[%add3A_93, %dma_wait3A_94] : memref<100000x128xf32, #tpu.memory_space<hbm>> -> memref<128x128xf32, #tpu.memory_space<hbm>>
    %dma_wait3A_96 = arith.constant 0 : i32
    %dma_wait3A_97 = tpu.memref_slice %arg4[%add3A_93, %dma_wait3A_96] : memref<100000x128xf32, #tpu.memory_space<hbm>> -> memref<128x128xf32, #tpu.memory_space<hbm>>
    tpu.wait_dma2 semaphore(%arg22 : memref<!tpu.dma_semaphore, #tpu.memory_space<semaphore_mem>>) src(%arg10 : memref<128x128xf32, #tpu.memory_space<vmem>>) dst(%dma_wait3A_97 : memref<128x128xf32, #tpu.memory_space<hbm>>)
    %add3A_98 = arith.constant 2816 : i32
    %add3A_99 = arith.addi %mul3A_6, %add3A_98 : i32
    %dma_wait3A_100 = arith.constant 0 : i32
    %dma_wait3A_101 = tpu.memref_slice %arg4[%add3A_99, %dma_wait3A_100] : memref<100000x128xf32, #tpu.memory_space<hbm>> -> memref<128x128xf32, #tpu.memory_space<hbm>>
    %dma_wait3A_102 = arith.constant 0 : i32
    %dma_wait3A_103 = tpu.memref_slice %arg4[%add3A_99, %dma_wait3A_102] : memref<100000x128xf32, #tpu.memory_space<hbm>> -> memref<128x128xf32, #tpu.memory_space<hbm>>
    tpu.wait_dma2 semaphore(%arg23 : memref<!tpu.dma_semaphore, #tpu.memory_space<semaphore_mem>>) src(%arg11 : memref<128x128xf32, #tpu.memory_space<vmem>>) dst(%dma_wait3A_103 : memref<128x128xf32, #tpu.memory_space<hbm>>)
    %add3A_104 = arith.constant 2944 : i32
    %add3A_105 = arith.addi %mul3A_6, %add3A_104 : i32
    %dma_wait3A_106 = arith.constant 0 : i32
    %dma_wait3A_107 = tpu.memref_slice %arg4[%add3A_105, %dma_wait3A_106] : memref<100000x128xf32, #tpu.memory_space<hbm>> -> memref<128x128xf32, #tpu.memory_space<hbm>>
    %dma_wait3A_108 = arith.constant 0 : i32
    %dma_wait3A_109 = tpu.memref_slice %arg4[%add3A_105, %dma_wait3A_108] : memref<100000x128xf32, #tpu.memory_space<hbm>> -> memref<128x128xf32, #tpu.memory_space<hbm>>
    tpu.wait_dma2 semaphore(%arg24 : memref<!tpu.dma_semaphore, #tpu.memory_space<semaphore_mem>>) src(%arg12 : memref<128x128xf32, #tpu.memory_space<vmem>>) dst(%dma_wait3A_109 : memref<128x128xf32, #tpu.memory_space<hbm>>)
    %dma_wait3A_110 = arith.constant 0 : i32
    %dma_wait3A_111 = arith.constant 0 : i32
    %dma_wait3A_112 = tpu.memref_slice %arg7[%dma_wait3A_110, %dma_wait3A_111] : memref<128x128xf32, #tpu.memory_space<vmem>> -> memref<48x128xf32, #tpu.memory_space<vmem>>
    %dma_wait3A_113 = arith.constant 3072 : i32
    %dma_wait3A_114 = tpu.memref_slice %arg6[%dma_wait3A_113] : memref<3128xi32, #tpu.memory_space<vmem>> -> memref<48xi32, #tpu.memory_space<vmem>>
    %dma_wait3A_115 = arith.constant 0 : i32
    %dma_wait3A_116 = arith.constant 0 : i32
    %dma_wait3A_117 = tpu.memref_slice %arg5[%dma_wait3A_115, %dma_wait3A_116] : memref<65x128xf32, #tpu.memory_space<vmem_shared>> -> memref<65x128xf32, #tpu.memory_space<vmem_shared>>
    tpu.wait_indirect_dma semaphore(%arg13 : memref<!tpu.dma_semaphore, #tpu.memory_space<semaphore_mem>>) src(%dma_wait3A_117 : memref<65x128xf32, #tpu.memory_space<vmem_shared>>) dst(%dma_wait3A_112 : memref<48x128xf32, #tpu.memory_space<vmem>>)
    %add3A_118 = arith.constant 3072 : i32
    %add3A_119 = arith.addi %mul3A_6, %add3A_118 : i32
    "tpu.region"() ({
      %run_scoped3A = tpu.sem_alloc : memref<!tpu.dma_semaphore, #tpu.memory_space<semaphore_mem>>
      %dma_start3A_123 = arith.constant 0 : i32
      %dma_start3A_124 = arith.constant 0 : i32
      %dma_start3A_125 = tpu.memref_slice %arg7[%dma_start3A_123, %dma_start3A_124] : memref<128x128xf32, #tpu.memory_space<vmem>> -> memref<48x128xf32, #tpu.memory_space<vmem>>
      %dma_start3A_126 = arith.constant 0 : i32
      %dma_start3A_127 = tpu.memref_slice %arg4[%add3A_119, %dma_start3A_126] : memref<100000x128xf32, #tpu.memory_space<hbm>> -> memref<48x128xf32, #tpu.memory_space<hbm>>
      %dma_start3A_128 = arith.constant 0 : i32
      %dma_start3A_129 = tpu.memref_slice %arg4[%add3A_119, %dma_start3A_128] : memref<100000x128xf32, #tpu.memory_space<hbm>> -> memref<48x128xf32, #tpu.memory_space<hbm>>
      %dma_start3A_130 = arith.constant 0 : i32
      %dma_start3A_131 = arith.constant 0 : i32
      %dma_start3A_132 = tpu.memref_slice %arg7[%dma_start3A_130, %dma_start3A_131] : memref<128x128xf32, #tpu.memory_space<vmem>> -> memref<48x128xf32, #tpu.memory_space<vmem>>
      tpu.enqueue_dma source(%dma_start3A_132 : memref<48x128xf32, #tpu.memory_space<vmem>>) target(%dma_start3A_129 : memref<48x128xf32, #tpu.memory_space<hbm>>) target_semaphore(%run_scoped3A : memref<!tpu.dma_semaphore, #tpu.memory_space<semaphore_mem>>)
      %dma_wait3A_133 = arith.constant 0 : i32
      %dma_wait3A_134 = arith.constant 0 : i32
      %dma_wait3A_135 = tpu.memref_slice %arg7[%dma_wait3A_133, %dma_wait3A_134] : memref<128x128xf32, #tpu.memory_space<vmem>> -> memref<48x128xf32, #tpu.memory_space<vmem>>
      %dma_wait3A_136 = arith.constant 0 : i32
      %dma_wait3A_137 = tpu.memref_slice %arg4[%add3A_119, %dma_wait3A_136] : memref<100000x128xf32, #tpu.memory_space<hbm>> -> memref<48x128xf32, #tpu.memory_space<hbm>>
      %dma_wait3A_138 = arith.constant 0 : i32
      %dma_wait3A_139 = tpu.memref_slice %arg4[%add3A_119, %dma_wait3A_138] : memref<100000x128xf32, #tpu.memory_space<hbm>> -> memref<48x128xf32, #tpu.memory_space<hbm>>
      %dma_wait3A_140 = arith.constant 0 : i32
      %dma_wait3A_141 = arith.constant 0 : i32
      %dma_wait3A_142 = tpu.memref_slice %arg7[%dma_wait3A_140, %dma_wait3A_141] : memref<128x128xf32, #tpu.memory_space<vmem>> -> memref<48x128xf32, #tpu.memory_space<vmem>>
      tpu.wait_dma2 semaphore(%run_scoped3A : memref<!tpu.dma_semaphore, #tpu.memory_space<semaphore_mem>>) src(%dma_wait3A_142 : memref<48x128xf32, #tpu.memory_space<vmem>>) dst(%dma_wait3A_139 : memref<48x128xf32, #tpu.memory_space<hbm>>)
      tpu.yield
    }) : () -> ()
    %convert_element_type3A_120 = arith.extui %lt3A_7 : i1 to i32
    %cond3A_121 = arith.constant 0 : i32
    %cond3A_122 = arith.cmpi ne, %convert_element_type3A_120, %cond3A_121 : i32
    scf.if %cond3A_122 {
      %dma_wait3A_123 = arith.constant 0 : i32
      %dma_wait3A_124 = arith.constant 0 : i32
      %dma_wait3A_125 = tpu.memref_slice %arg8[%dma_wait3A_123, %dma_wait3A_124] : memref<128x128xf32, #tpu.memory_space<vmem>> -> memref<8x128xf32, #tpu.memory_space<vmem>>
      %dma_wait3A_126 = arith.constant 3120 : i32
      %dma_wait3A_127 = tpu.memref_slice %arg6[%dma_wait3A_126] : memref<3128xi32, #tpu.memory_space<vmem>> -> memref<8xi32, #tpu.memory_space<vmem>>
      %dma_wait3A_128 = arith.constant 0 : i32
      %dma_wait3A_129 = arith.constant 0 : i32
      %dma_wait3A_130 = tpu.memref_slice %arg5[%dma_wait3A_128, %dma_wait3A_129] : memref<65x128xf32, #tpu.memory_space<vmem_shared>> -> memref<65x128xf32, #tpu.memory_space<vmem_shared>>
      tpu.wait_indirect_dma semaphore(%arg14 : memref<!tpu.dma_semaphore, #tpu.memory_space<semaphore_mem>>) src(%dma_wait3A_130 : memref<65x128xf32, #tpu.memory_space<vmem_shared>>) dst(%dma_wait3A_125 : memref<8x128xf32, #tpu.memory_space<vmem>>)
      %add3A_131 = arith.constant 3120 : i32
      %add3A_132 = arith.addi %mul3A_6, %add3A_131 : i32
      "tpu.region"() ({
        %run_scoped3A = tpu.sem_alloc : memref<!tpu.dma_semaphore, #tpu.memory_space<semaphore_mem>>
        %dma_start3A_133 = arith.constant 0 : i32
        %dma_start3A_134 = arith.constant 0 : i32
        %dma_start3A_135 = tpu.memref_slice %arg8[%dma_start3A_133, %dma_start3A_134] : memref<128x128xf32, #tpu.memory_space<vmem>> -> memref<8x128xf32, #tpu.memory_space<vmem>>
        %dma_start3A_136 = arith.constant 0 : i32
        %dma_start3A_137 = tpu.memref_slice %arg4[%add3A_132, %dma_start3A_136] : memref<100000x128xf32, #tpu.memory_space<hbm>> -> memref<8x128xf32, #tpu.memory_space<hbm>>
        %dma_start3A_138 = arith.constant 0 : i32
        %dma_start3A_139 = tpu.memref_slice %arg4[%add3A_132, %dma_start3A_138] : memref<100000x128xf32, #tpu.memory_space<hbm>> -> memref<8x128xf32, #tpu.memory_space<hbm>>
        %dma_start3A_140 = arith.constant 0 : i32
        %dma_start3A_141 = arith.constant 0 : i32
        %dma_start3A_142 = tpu.memref_slice %arg8[%dma_start3A_140, %dma_start3A_141] : memref<128x128xf32, #tpu.memory_space<vmem>> -> memref<8x128xf32, #tpu.memory_space<vmem>>
        tpu.enqueue_dma source(%dma_start3A_142 : memref<8x128xf32, #tpu.memory_space<vmem>>) target(%dma_start3A_139 : memref<8x128xf32, #tpu.memory_space<hbm>>) target_semaphore(%run_scoped3A : memref<!tpu.dma_semaphore, #tpu.memory_space<semaphore_mem>>)
        %dma_wait3A_143 = arith.constant 0 : i32
        %dma_wait3A_144 = arith.constant 0 : i32
        %dma_wait3A_145 = tpu.memref_slice %arg8[%dma_wait3A_143, %dma_wait3A_144] : memref<128x128xf32, #tpu.memory_space<vmem>> -> memref<8x128xf32, #tpu.memory_space<vmem>>
        %dma_wait3A_146 = arith.constant 0 : i32
        %dma_wait3A_147 = tpu.memref_slice %arg4[%add3A_132, %dma_wait3A_146] : memref<100000x128xf32, #tpu.memory_space<hbm>> -> memref<8x128xf32, #tpu.memory_space<hbm>>
        %dma_wait3A_148 = arith.constant 0 : i32
        %dma_wait3A_149 = tpu.memref_slice %arg4[%add3A_132, %dma_wait3A_148] : memref<100000x128xf32, #tpu.memory_space<hbm>> -> memref<8x128xf32, #tpu.memory_space<hbm>>
        %dma_wait3A_150 = arith.constant 0 : i32
        %dma_wait3A_151 = arith.constant 0 : i32
        %dma_wait3A_152 = tpu.memref_slice %arg8[%dma_wait3A_150, %dma_wait3A_151] : memref<128x128xf32, #tpu.memory_space<vmem>> -> memref<8x128xf32, #tpu.memory_space<vmem>>
        tpu.wait_dma2 semaphore(%run_scoped3A : memref<!tpu.dma_semaphore, #tpu.memory_space<semaphore_mem>>) src(%dma_wait3A_152 : memref<8x128xf32, #tpu.memory_space<vmem>>) dst(%dma_wait3A_149 : memref<8x128xf32, #tpu.memory_space<hbm>>)
        tpu.yield
      }) : () -> ()
    } else {
    }
    return
  }
}

</mosaic_0001>

<sc_bundles>
// kernel: kernel.3.cloned.1.call-start
scs
__scs_entry_jumppad:
0x0: {  	(pc) =	sbr.rel $0x88, $3  }
0x1: {  	(tag) =	ssettag $0x0;
	lr =	simm.s32 $0x1  }
0x2: {  	[smem:$0x3F9F] =	sst lr;
	_ =	strace $0xD0000000  }
0x3: {  	_ = 	snop  }
0x4: {  	_ = 	snop  }
0x5: {  	_ = 	snop  }
0x6: {  	_ = 	snop  }
0x7: {  	_ = 	snop  }
__scs_overlays_trampoline_lowered:
0x8: {  	[smem:$0x3FAE] =	sst s0  }
0x9: {  	[smem:$0x3FAF] =	sst s1  }
0xa: {  	[smem:$0x3FB0] =	sst s2  }
0xb: {  	[smem:$0x3FB1] =	sst s3  }
0xc: {  	[smem:$0x3FB2] =	sst s4  }
0xd: {  	[smem:$0x3FB3] =	sst s5  }
0xe: {  	[smem:$0x3FB4] =	sst s6  }
0xf: {  	[smem:$0x3FB5] =	sst s7  }
0x10: {  	[smem:$0x3FB6] =	sst s8  }
0x11: {  	[smem:$0x3FB7] =	sst s9;
	s0 =	simm.s32 @!p0 $0x0  }
0x12: {  	s1 =	sld [smem:$0x3F9D];
	s0 =	simm.s32 @p0 $0x1  }
0x13: {  	[smem:$0x3FB8] =	sst s0;
	s0 =	simm.s32 @!p1 $0x0  }
0x14: {  	s2 =	sld [smem:$0x3F9C];
	s0 =	simm.s32 @p1 $0x1  }
0x15: {  	[smem:$0x3FB9] =	sst s0;
	s0 =	simm.s32 @!p2 $0x0  }
0x16: {  	s3 =	sld [smem:$0x3FDB];
	s0 =	simm.s32 @p2 $0x1  }
0x17: {  	s4 =	simm.s32 $0x1BF5;
	[smem:$0x3FBB] =	sst s0  }
0x18: {  	s0 =	sld [smem:$0x3F9E];
	_ =	swait.ge [sflag:s4], $0x0  }
0x19: {  	s7 =	sld [smem:$0x3F9F]  }
0x1a: {  	s8 =	sadd.s32 $0xFFFFE003, lr  }
0x1b: {  	s9 =	sadd.s32 $0xFFFFFEF7, lr;
	s5 =	simm.s32 $0xFFFFFFFF;
	p2 =	slt.u32 s8, $0xFFFFF086  }
0x1c: {  	p1 =	slt.u32 s9, $0xF7A;
	s5 =	simm.s32 @!p2 $0x0  }
0x1d: {  	s5 =	simm.s32 @p1 $0x1;
	p0 =	seq.s32 s7, s2  }
0x1e: {  	s7 =	smul.u32 @!p0 $0xF7A, s2;
	p2 =	seq.s32 @!p0 s5, $0x0  }
0x1f: {  	s9 =	smul.u32 $0xF7A, s1;
	s8 =	simm.s32 @!p0 $0x1BF5;
	p2 =	por !p2, p0  }
0x20: {  	[sflag:s8] =	ssyncset.s32 @!p0 $0xFFFFF086;
	s6 =	sadd.s32 @!p0 s3, s7;
	s7 =	simm.s32 @!p0 $0x108  }
0x21: {  	s3 =	sadd.s32 s3, s9;
	s6 =	sadd.s32 @!p0 $0x88, s6;
	s7 =	simm.s32 @p2 $0x1082  }
0x22: {  	[simem:s7], [sflag:s8] =	dma.local @!p0 [hbm:s6], $0xF7A  }
0x23: {  	s9 =	sor.u32 $0xD0000000, s2;
	s6 =	simm.s32 $0x108;
	_ =	swait.ge @!p0 [sflag:s8], $0x0  }
0x24: {  	s3 =	sadd.s32 $0x88, s3;
	s6 =	simm.s32 @!p1 $0x1082;
	[sflag:s4] =	ssyncset.s32 $0xFFFFF086  }
0x25: {  	[simem:s6], [sflag:s4] =	dma.local [hbm:s3], $0xF7A  }
0x26: {  	[smem:$0x3F9F] =	sst s1;
	(tag) =	ssettag s2;
	_ =	strace s9  }
0x27: {  	s1 =	sld [smem:$0x3FAF]  }
0x28: {  	s2 =	sld [smem:$0x3FB0]  }
0x29: {  	s4 =	sld [smem:$0x3FB2]  }
0x2a: {  	p0 =	seq.s32 s5, $0x0;
	s5 =	sld [smem:$0x3FB3]  }
0x2b: {  	s6 =	sld [smem:$0x3FB4]  }
0x2c: {  	s7 =	sld [smem:$0x3FB5]  }
0x2d: {  	s3 =	simm.s32 $0x108;
	s8 =	sld [smem:$0x3FB6]  }
0x2e: {  	s3 =	simm.s32 @!p0 $0x1082;
	s9 =	sld [smem:$0x3FB7]  }
0x2f: {  	lr =	sadd.s32 s0, s3;
	s0 =	sld [smem:$0x3FAE]  }
0x30: {  	s3 =	sld [smem:$0x3FB1]  }
0x31: {  	[smem:$0x3FBA] =	sst s10  }
0x32: {  	s10 =	sld [smem:$0x3FB8];
	_ =	sdelay $0x3  }
0x33: {  	p0 =	seq.s32 s10, $0x1;
	s10 =	sld [smem:$0x3FBA];
	_ =	sdelay $0x3  }
0x34: {  	[smem:$0x3FBA] =	sst s10  }
0x35: {  	s10 =	sld [smem:$0x3FB9];
	_ =	sdelay $0x3  }
0x36: {  	p1 =	seq.s32 s10, $0x1;
	s10 =	sld [smem:$0x3FBA];
	_ =	sdelay $0x3  }
0x37: {  	[smem:$0x3FBA] =	sst s10  }
0x38: {  	s10 =	sld [smem:$0x3FBB]  }
0x39: {  	_ = 	snop;
	(pc) =	sbr.ind lr, $3  }
0x3a: {  	_ = 	snop  }
0x3b: {  	_ = 	snop  }
0x3c: {  	p2 =	seq.s32 s10, $0x1;
	s10 =	sld [smem:$0x3FBA]  }
0x3d: {  	_ =	shalt  }
0x3e: {  	_ =	shalt  }
0x3f: {  	_ =	shalt  }
0x40: {  	_ =	shalt  }
0x41: {  	_ =	shalt  }
0x42: {  	_ =	shalt  }
0x43: {  	_ =	shalt  }
0x44: {  	_ =	shalt  }
0x45: {  	_ =	shalt  }
0x46: {  	_ =	shalt  }
0x47: {  	_ =	shalt  }
0x48: {  	_ =	shalt  }
0x49: {  	_ =	shalt  }
0x4a: {  	_ =	shalt  }
0x4b: {  	_ =	shalt  }
0x4c: {  	_ =	shalt  }
0x4d: {  	_ =	shalt  }
0x4e: {  	_ =	shalt  }
0x4f: {  	_ =	shalt  }
0x50: {  	_ =	shalt  }
0x51: {  	_ =	shalt  }
0x52: {  	_ =	shalt  }
0x53: {  	_ =	shalt  }
0x54: {  	_ =	shalt  }
0x55: {  	_ =	shalt  }
0x56: {  	_ =	shalt  }
0x57: {  	_ =	shalt  }
0x58: {  	_ =	shalt  }
0x59: {  	_ =	shalt  }
0x5a: {  	_ =	shalt  }
0x5b: {  	_ =	shalt  }
0x5c: {  	_ =	shalt  }
0x5d: {  	_ =	shalt  }
0x5e: {  	_ =	shalt  }
0x5f: {  	_ =	shalt  }
0x60: {  	_ =	shalt  }
0x61: {  	_ =	shalt  }
0x62: {  	_ =	shalt  }
0x63: {  	_ =	shalt  }
0x64: {  	_ =	shalt  }
0x65: {  	_ =	shalt  }
0x66: {  	_ =	shalt  }
0x67: {  	_ =	shalt  }
0x68: {  	_ =	shalt  }
0x69: {  	_ =	shalt  }
0x6a: {  	_ =	shalt  }
0x6b: {  	_ =	shalt  }
0x6c: {  	_ =	shalt  }
0x6d: {  	_ =	shalt  }
0x6e: {  	_ =	shalt  }
0x6f: {  	_ =	shalt  }
0x70: {  	_ =	shalt  }
0x71: {  	_ =	shalt  }
0x72: {  	_ =	shalt  }
0x73: {  	_ =	shalt  }
0x74: {  	_ =	shalt  }
0x75: {  	_ =	shalt  }
0x76: {  	_ =	shalt  }
0x77: {  	_ =	shalt  }
0x78: {  	_ =	shalt  }
0x79: {  	_ =	shalt  }
0x7a: {  	_ =	shalt  }
0x7b: {  	_ =	shalt  }
0x7c: {  	_ =	shalt  }
0x7d: {  	_ =	shalt  }
0x7e: {  	_ =	shalt  }
0x7f: {  	_ =	shalt  }
0x80: {  	_ =	shalt  }
0x81: {  	_ =	shalt  }
0x82: {  	_ =	shalt  }
0x83: {  	_ =	shalt  }
0x84: {  	_ =	shalt  }
0x85: {  	_ =	shalt  }
0x86: {  	_ =	shalt  }
0x87: {  	_ =	shalt  }
.Lfunc_end0:
.L_simem_size_0:
called_computation_lowered:
.L_overlay_start_0:
0x88: {  	s2 =	sld [smem:$0x3FD9]  }
0x89: {  	s3 =	sld [smem:$0x3FFE];
	_ =	sdelay $0x1  }
0x8a: {  	s1 =	srdreg.scid  }
0x8b: {  	s0 =	sand.u32 $0x1, s1  }
0x8c: {  	s18 =	sshll.u32 s0, $0xA;
	s2 =	sadd.s32 s3, s2  }
0x8d: {  	s2 =	sadd.s32 s2, s18  }
0x8e: {  	[smem:$0x3FC6] =	sst s2  }
0x8f: {  	_ = 	snop  }
0x90: {  	s2 =	sld [smem:$0x3FC9]  }
0x91: {  	s19 =	sld [smem:$0x3FC8]  }
0x92: {  	s4 =	sld [smem:$0x3FD0];
	(tm) =	ssettm $0x1  }
0x93: {  	s5 =	sld [smem:$0x3FFB];
	_ =	sdelay $0x3  }
0x94: {  	_ =	strace s5  }
0x95: {  	s5 =	sld [smem:$0x3FFC];
	_ =	sdelay $0x3  }
0x96: {  	_ =	strace s5  }
0x97: {  	s5 =	sld [smem:$0x3FFD];
	_ =	sdelay $0x3  }
0x98: {  	_ =	strace s5  }
0x99: {  	_ =	strace $0x8FFFFFFF  }
0x9a: {  	s20 =	sld [smem:$0x3FDB];
	_ =	sdelay $0x1  }
0x9b: {  	s6 =	simm.s32 $_scs_section_size  }
0x9c: {  	s7 =	simm.s32 $_size__tile_overlayer_lowered;
	s8 =	simm.s32 $_tile_overlayer_lowered  }
0x9d: {  	s23 =	simm.s32 $0x1BFF;
	s22 =	sshll.u32 s8, $0x1;
	s5 =	sadd.s32 s6, s20  }
0x9e: {  	s9 =	simm.s32 $0x0;
	s21 =	sshll.u32 s7, $0x1;
	s7 =	sadd.s32 s22, s5  }
0x9f: {  	[timem:s9], [sflag:s23] =	dma.local [hbm:s7], s21  }
0xa0: {  	_ =	swait.ge [sflag:s23], s21  }
0xa1: {  	s6 =	ssub.s32 $0x0, s21;
	[sflag:s23] =	ssyncset.done $0x0  }
0xa2: {  	[sflag:s23] =	ssyncadd.s32 s6;
	_ =	sdelay $0x1  }
0xa3: {  	s24 =	simm.s32 $0x1B8B  }
0xa4: {  	_ =	swait.ge [sflag:s24], $0x1  }
0xa5: {  	[sflag:s24] =	ssyncset.done $0x0  }
0xa6: {  	s25 =	simm.s32 $0x1B8E;
	[sflag:s24] =	ssyncadd.s32 $0xFFFFFFFF  }
0xa7: {  	s26 =	simm.s32 $execute0_lowered;
	[smem:$0x3FD2] =	sst s25  }
0xa8: {  	s6 =	sshll.u32 s26, $0x1;
	_ =	strace $0x80000046;
	[dreg:$0x1] =	wrdreg $0xFFFFFFFF  }
0xa9: {  	s28 =	simm.s32 $_size_execute0_lowered;
	s5 =	sadd.s32 s5, s6;
	[dreg:$0x0] =	wrdreg $0x0  }
0xaa: {  	s6 =	sshll.u32 s28, $0x1;
	[dreg:$0x2] =	wrdreg s5  }
0xab: {  	[dreg:$0x3] =	wrdreg s6  }
0xac: {  	[dreg:$0x4] =	wrdreg $0xC0  }
0xad: {  	_ =	task [dreg:s9], $0x5FFFF  }
0xae: {  	[dreg:$0x1] =	wrdreg $0xFFFFFFFF  }
0xaf: {  	[dreg:$0x0] =	wrdreg $0x60  }
0xb0: {  	[dreg:$0x2] =	wrdreg s19  }
0xb1: {  	[dreg:$0x3] =	wrdreg s2  }
0xb2: {  	[dreg:$0x4] =	wrdreg s4  }
0xb3: {  	[dreg:$0x5] =	wrdreg $0x0  }
0xb4: {  	[dreg:$0x6] =	wrdreg $0x9  }
0xb5: {  	_ =	task.clear_ibuf [dreg:s9], $0x7FFFF;
	_ =	strace $0x90000046  }
0xb6: {  	s29 =	simm.s32 $0x9;
	_ =	strace $0x80000048  }
0xb7: {  	_ =	swait.ge [sflag:s29], $0x1  }
0xb8: {  	[sflag:s29] =	ssyncadd.s32 $0xFFFFFFFF  }
0xb9: {  	_ =	strace $0x90000048  }
0xba: {  	_ =	sfence  }
0xbb: {  	s30 =	sld [smem:$0x0];
	_ =	sdelay $0x2  }
0xbc: {  	s31 =	sshll.u32 s1, $0xD;
	s1 =	sshrl.u32 s1, $0x2  }
0xbd: {  	s3 =	sand.u32 $0x4000, s31;
	s1 =	sadd.s32 s1, s30  }
0xbe: {  	s0 =	sor.u32 s3, s0;
	s1 =	sshll.u32 s1, $0x11  }
0xbf: {  	s0 =	sor.u32 s1, s0  }
0xc0: {  	s0 =	sadd.s32 $0x8F2B, s0  }
0xc1: {  	[sflag:s0] =	ssyncadd.remote.s32 $0x1  }
0xc2: {  	_ =	sfence.sel $0xFFFF  }
0xc3: {  	[dreg:$0x0] =	wrdreg $0xFFFFFFFF;
	(pc) =	sbr.abs _section_cstart, $3  }
0xc4: {  	[dreg:$0x1] =	wrdreg $0xFFFFFFFF  }
0xc5: {  	_ =	task.clear_ibuf [dreg:s9], $0x2FFFF;
	_ =	strace $0x9FFFFFFF  }
0xc6: {  	(tm) =	ssettm $0x7FFFFFFF  }
0xc7: {  	_ =	shalt  }
tec
execute0_lowered:
.L_overlay_start_1:
0x0: {  	(tag) =	ssettag $0x1  }
0x1: {  	s0 =	rddreg [dreg:$0x1]  }
0x2: {  	s1 =	srdreg.scid;
	s7 =	rddreg [dreg:$0x2]  }
0x3: {  	s5 =	stileid.u32;
	s2 =	rddreg [dreg:$0x3];
	s13 =	simm.s32 $0x1  }
0x4: {  	s14 =	simm.s32 $0x2;
	s15 =	simm.s32 $0x80;
	s16 =	simm.s32 $0xE88  }
0x5: {  	s18 =	simm.s32 $0x4E88;
	s20 =	simm.s32 $0x8E88;
	s22 =	simm.s32 $0xCE88  }
0x6: {  	s28 =	simm.s32 $0x3;
	s29 =	simm.s32 $0x4;
	s30 =	simm.s32 $0x5  }
0x7: {  	s31 =	simm.s32 $0x6;
	s17 =	simm.s32 $0x9;
	s19 =	simm.s32 $0xB  }
0x8: {  	s21 =	simm.s32 $0xC;
	s1 =	sand.u32 $0x1, s1;
	s3 =	sshll.u32 s5, $0x1  }
0x9: {  	s11 =	smul.u32 $0x30C, s5;
	p1 =	sgt.u32 s5, $0x9;
	p0 =	sne.s32 s5, $0x0  }
0xa: {  	s4 =	sor.u32 s1, s3;
	s23 =	ssub.s32 $0x2, s1;
	s1 =	smul.u32 $0x186, s1  }
0xb: {  	s5 =	simm.s32 $0x8;
	s3 =	simm.s32 $0x0;
	s6 =	smul.u32 $0x186, s4  }
0xc: {  	[smem:$0x7FF] =	sst s3;
	s8 =	smin.u32 s4, $0x14;
	s9 =	sshrl.u32 s23, $0x1  }
0xd: {  	_ =	strace $0x80000047;
	s9 =	ssub.s32 s23, s9;
	s6 =	sadd.s32 s8, s6  }
0xe: {  	s23 =	simm.s32 $0xD;
	s8 =	sadd.s32 s11, s8;
	s10 =	sshll.u32 s6, $0x3  }
0xf: {  	s24 =	sadd.s32 s0, s6;
	s25 =	sshll.u32 s6, $0x7;
	s1 =	sadd.s32 s1, s8  }
0x10: {  	s8 =	smax.u32 s9, $0x1;
	s10 =	sadd.s32 $0xC30, s10;
	[dreg:$0x5] =	wrdreg s24  }
0x11: {  	s1 =	sshll.u32 s1, $0x7;
	s24 =	simm.s32 $0x10E88;
	s12 =	sshrl.u32 s10, $0x3  }
0x12: {  	s26 =	sshll.u32 s10, $0x4;
	s1 =	sadd.s32 s1, s7;
	s10 =	simm.s32 $0x208  }
.Ltmp0:
0x13: {  	s0 =	sadd.s32 s0, s12;
	s12 =	sadd.s32 $0x80, s2;
	(pc) =	sbr.rel .LBB2_1-.Ltmp0, $4  }
0x14: {  	s11 =	sadd.s32 $0x2800, s1;
	[dreg:$0x6] =	wrdreg s0;
	s0 =	sadd.s32 s25, s7  }
0x15: {  	s1 =	simm.s32 $0x7;
	s7 =	sadd.s32 s7, s26;
	s0 =	sadd.s32 $0xC000, s0  }
0x16: {  	s26 =	simm.s32 $0x14E88;
	[dreg:$0x7] =	wrdreg s0;
	s0 =	sshrl.u32 @!p0 s12, $0x3  }
0x17: {  	s25 =	simm.s32 $0x0;
	s12 =	simm.s32 $0xA;
	[dreg:$0x8] =	wrdreg s0  }
.LBB2_6:
0x18: {  	s0 =	simm.s32 $0x30;
	s4 =	simm.s32 $0xE08  }
0x19: {  	[tilespmem:s16], [sflag:$0x1] =	stream.indirect.gather [spmem:s2], $0x80, s4, s0, $0xb8;
	[tilespmem:$0x18E88] =	vst v63  }
0x1a: {  	_ =	swait.ge [sflag:s5], $0x4000  }
0x1b: {  	s6 =	simm.s32 @!p1 $0x4E88;
	[sflag:s5] =	ssyncset.done $0x0  }
0x1c: {  	s0 =	simm.s32 @!p1 $0x8;
	s4 =	simm.s32 @!p1 $0xE38;
	[sflag:s5] =	ssyncadd.s32 $0xFFFFC000  }
0x1d: {  	[tilespmem:s6], [sflag:$0x2] =	stream.indirect.gather @!p1 [spmem:s2], $0x80, s4, s0, $0xb8;
	[tilespmem:$0x18E88] =	vst v63  }
0x1e: {  	_ =	swait.ge [sflag:s17], $0x4000  }
0x1f: {  	[sflag:s17] =	ssyncset.done $0x0  }
0x20: {  	[sflag:s17] =	ssyncadd.s32 $0xFFFFC000  }
0x21: {  	_ =	swait.ge [sflag:s12], $0x4000  }
0x22: {  	[sflag:s12] =	ssyncset.done $0x0  }
0x23: {  	[sflag:s12] =	ssyncadd.s32 $0xFFFFC000  }
0x24: {  	_ =	swait.ge [sflag:s19], $0x4000  }
0x25: {  	[sflag:s19] =	ssyncset.done $0x0  }
0x26: {  	[sflag:s19] =	ssyncadd.s32 $0xFFFFC000  }
0x27: {  	_ =	swait.ge [sflag:s21], $0x4000  }
0x28: {  	[sflag:s21] =	ssyncset.done $0x0  }
0x29: {  	[sflag:s21] =	ssyncadd.s32 $0xFFFFC000  }
0x2a: {  	_ =	swait.ge [sflag:s13], $0x1800  }
0x2b: {  	[sflag:s13] =	ssyncset.done $0x0  }
0x2c: {  	s9 =	rddreg [dreg:$0x7];
	[sflag:s13] =	ssyncadd.s32 $0xFFFFE800  }
0x2d: {  	[hbm4b:s9+s3] =	stream.linear.scatter [tilespmem:s16], [sflag:$0xD], $0x1800, $0x38;
	[tilespmem:$0x18E88] =	vst v63  }
0x2e: {  	_ =	swait.ge [sflag:s23], $0x1800  }
0x2f: {  	[sflag:s23] =	ssyncset.done $0x0  }
0x30: {  	s0 =	simm.s32 @!p1 $0x2;
	[sflag:s23] =	ssyncadd.s32 $0xFFFFE800  }
0x31: {  	_ =	swait.ge @!p1 [sflag:s0], $0x400  }
0x32: {  	s25 =	sadd.s32 $0x1, s25;
	[sflag:s0] =	ssyncset.done @!p1 $0x0  }
0x33: {  	p2 =	sne.s32 s25, s8;
	[sflag:s0] =	ssyncadd.s32 @!p1 $0xFFFFFC00;
	s0 =	simm.s32 @!p1 $0x0  }
0x34: {  	[hbm4b:s7+s0] =	stream.linear.scatter @!p1 [tilespmem:s6], [sflag:$0xD], $0x400, $0x38;
	[tilespmem:$0x18E88] =	vst v63  }
.Ltmp1:
0x35: {  	_ = 	snop;
	(pc) =	sbr.rel @!p2 .LBB2_7-.Ltmp1, $4  }
0x36: {  	s0 =	simm.s32 @!p1 $0xD  }
0x37: {  	_ =	swait.ge @!p1 [sflag:s0], $0x400  }
0x38: {  	[sflag:s0] =	ssyncset.done @!p1 $0x0  }
0x39: {  	[sflag:s0] =	ssyncadd.s32 @!p1 $0xFFFFFC00  }
.LBB2_1:
.Ltmp2:
0x3a: {  	(pc) =	sbr.rel @p1 .LBB2_8-.Ltmp2, $3  }
0x3b: {  	_ =	sdelay $0x1  }
0x3c: {  	s0 =	rddreg [dreg:$0x5]  }
0x3d: {  	[tilespmem:s10], [sflag:$0x1] =	stream.linear.gather [hbm4b:s0+s3], $0xC30, $0x38;
	[tilespmem:$0x18E88] =	vst v63  }
0x3e: {  	s0 =	rddreg [dreg:$0x6]  }
0x3f: {  	s4 =	simm.s32 $0xE38;
	s6 =	rddreg [dreg:$0x8]  }
0x40: {  	[tilespmem:s4], [sflag:$0x2] =	stream.linear.gather [hbm4b:s0+s3], $0x8, $0x38;
	[tilespmem:$0x18E88] =	vst v63  }
0x41: {  	s0 =	simm.s32 @!p0 $0x1C0D;
	s4 =	rddreg [dreg:$0x0]  }
0x42: {  	[spmem:s6], [sflag:s0] =	dma.local @!p0 [hbm:s4], $0x400  }
0x43: {  	s0 =	simm.s32 @!p0 $0xD  }
0x44: {  	_ =	swait.ge @!p0 [sflag:s0], $0x400  }
0x45: {  	[sflag:s0] =	ssyncset.done @!p0 $0x0  }
0x46: {  	[sflag:s0] =	ssyncadd.s32 @!p0 $0xFFFFFC00  }
0x47: {  	_ =	swait.ge [sflag:s13], $0xC30  }
.Ltmp3:
0x48: {  	[sflag:s13] =	ssyncset.done $0x0;
	(pc) =	sbr.rel .LBB2_3-.Ltmp3, $4  }
0x49: {  	[sflag:s13] =	ssyncadd.s32 $0xFFFFF3D0  }
0x4a: {  	_ =	swait.ge [sflag:s14], $0x8  }
0x4b: {  	[sflag:s14] =	ssyncset.done $0x0  }
0x4c: {  	[sflag:s14] =	ssyncadd.s32 $0xFFFFFFF8  }
.LBB2_8:
0x4d: {  	_ =	swait.ge [sflag:s13], $0xC30  }
0x4e: {  	[sflag:s13] =	ssyncset.done $0x0  }
0x4f: {  	[sflag:s13] =	ssyncadd.s32 $0xFFFFF3D0  }
.LBB2_3:
0x50: {  	[bflag:$0x0] =	sbarrier.arrive $0xFFFF  }
0x51: {  	[tilespmem:s16], [sflag:$0x1] =	stream.indirect.gather [spmem:s2], $0x80, s10, s15, $0xb8;
	[tilespmem:$0x18E88] =	vst v63  }
0x52: {  	s0 =	simm.s32 $0x288  }
0x53: {  	[tilespmem:s18], [sflag:$0x2] =	stream.indirect.gather [spmem:s2], $0x80, s0, s15, $0xb8;
	[tilespmem:$0x18E88] =	vst v63  }
0x54: {  	s9 =	simm.s32 $0x308  }
0x55: {  	[tilespmem:s20], [sflag:$0x3] =	stream.indirect.gather [spmem:s2], $0x80, s9, s15, $0xb8;
	[tilespmem:$0x18E88] =	vst v63  }
0x56: {  	s4 =	simm.s32 $0x388  }
0x57: {  	[tilespmem:s22], [sflag:$0x4] =	stream.indirect.gather [spmem:s2], $0x80, s4, s15, $0xb8;
	[tilespmem:$0x18E88] =	vst v63  }
0x58: {  	s6 =	simm.s32 $0x408  }
0x59: {  	[tilespmem:s24], [sflag:$0x5] =	stream.indirect.gather [spmem:s2], $0x80, s6, s15, $0xb8;
	[tilespmem:$0x18E88] =	vst v63  }
0x5a: {  	s9 =	simm.s32 $0x488  }
0x5b: {  	[tilespmem:s26], [sflag:$0x6] =	stream.indirect.gather [spmem:s2], $0x80, s9, s15, $0xb8;
	[tilespmem:$0x18E88] =	vst v63  }
0x5c: {  	s0 =	simm.s32 $0x0;
	s9 =	smov.u32 s11  }
.LBB2_4:
0x5d: {  	_ =	swait.ge [sflag:s13], $0x4000  }
0x5e: {  	[sflag:s13] =	ssyncset.done $0x0  }
0x5f: {  	s4 =	sadd.s32 $0xFFFFD800, s9;
	[sflag:s13] =	ssyncadd.s32 $0xFFFFC000  }
0x60: {  	[hbm4b:s4+s3] =	stream.linear.scatter [tilespmem:s16], [sflag:$0x7], $0x4000, $0x38;
	[tilespmem:$0x18E88] =	vst v63  }
0x61: {  	_ =	swait.ge [sflag:s14], $0x4000  }
0x62: {  	[sflag:s14] =	ssyncset.done $0x0  }
0x63: {  	s6 =	sadd.s32 $0xFFFFE000, s9;
	[sflag:s14] =	ssyncadd.s32 $0xFFFFC000  }
0x64: {  	[hbm4b:s6+s3] =	stream.linear.scatter [tilespmem:s18], [sflag:$0x8], $0x4000, $0x38;
	[tilespmem:$0x18E88] =	vst v63  }
0x65: {  	_ =	swait.ge [sflag:s28], $0x4000  }
0x66: {  	[sflag:s28] =	ssyncset.done $0x0  }
0x67: {  	s6 =	sadd.s32 $0xFFFFE800, s9;
	[sflag:s28] =	ssyncadd.s32 $0xFFFFC000  }
0x68: {  	[hbm4b:s6+s3] =	stream.linear.scatter [tilespmem:s20], [sflag:$0x9], $0x4000, $0x38;
	[tilespmem:$0x18E88] =	vst v63  }
0x69: {  	_ =	swait.ge [sflag:s29], $0x4000  }
0x6a: {  	[sflag:s29] =	ssyncset.done $0x0  }
0x6b: {  	s6 =	sadd.s32 $0xFFFFF000, s9;
	[sflag:s29] =	ssyncadd.s32 $0xFFFFC000  }
0x6c: {  	[hbm4b:s6+s3] =	stream.linear.scatter [tilespmem:s22], [sflag:$0xA], $0x4000, $0x38;
	[tilespmem:$0x18E88] =	vst v63  }
0x6d: {  	_ =	swait.ge [sflag:s30], $0x4000  }
0x6e: {  	[sflag:s30] =	ssyncset.done $0x0  }
0x6f: {  	s6 =	sadd.s32 $0xFFFFF800, s9;
	[sflag:s30] =	ssyncadd.s32 $0xFFFFC000  }
0x70: {  	[hbm4b:s6+s3] =	stream.linear.scatter [tilespmem:s24], [sflag:$0xB], $0x4000, $0x38;
	[tilespmem:$0x18E88] =	vst v63  }
0x71: {  	_ =	swait.ge [sflag:s31], $0x4000  }
0x72: {  	p2 =	seq.s32 s0, $0x2400;
	[sflag:s31] =	ssyncset.done $0x0  }
.Ltmp4:
0x73: {  	[sflag:s31] =	ssyncadd.s32 $0xFFFFC000;
	(pc) =	sbr.rel @p2 .LBB2_6-.Ltmp4, $4  }
0x74: {  	[hbm4b:s9+s3] =	stream.linear.scatter [tilespmem:s26], [sflag:$0xC], $0x4000, $0x38;
	[tilespmem:$0x18E88] =	vst v63  }
0x75: {  	_ =	swait.ge [sflag:s1], $0x4000  }
0x76: {  	[sflag:s1] =	ssyncset.done $0x0  }
0x77: {  	[sflag:s1] =	ssyncadd.s32 $0xFFFFC000  }
0x78: {  	s4 =	sshra.s32 s0, $0x2  }
0x79: {  	s6 =	sadd.s32 $0x508, s4  }
0x7a: {  	[tilespmem:s16], [sflag:$0x1] =	stream.indirect.gather [spmem:s2], $0x80, s6, s15, $0xb8;
	[tilespmem:$0x18E88] =	vst v63  }
0x7b: {  	_ =	swait.ge [sflag:s5], $0x4000  }
0x7c: {  	[sflag:s5] =	ssyncset.done $0x0  }
0x7d: {  	s6 =	sadd.s32 $0x588, s4;
	[sflag:s5] =	ssyncadd.s32 $0xFFFFC000  }
0x7e: {  	[tilespmem:s18], [sflag:$0x2] =	stream.indirect.gather [spmem:s2], $0x80, s6, s15, $0xb8;
	[tilespmem:$0x18E88] =	vst v63  }
0x7f: {  	_ =	swait.ge [sflag:s17], $0x4000  }
0x80: {  	[sflag:s17] =	ssyncset.done $0x0  }
0x81: {  	s6 =	sadd.s32 $0x608, s4;
	[sflag:s17] =	ssyncadd.s32 $0xFFFFC000  }
0x82: {  	[tilespmem:s20], [sflag:$0x3] =	stream.indirect.gather [spmem:s2], $0x80, s6, s15, $0xb8;
	[tilespmem:$0x18E88] =	vst v63  }
0x83: {  	_ =	swait.ge [sflag:s12], $0x4000  }
0x84: {  	[sflag:s12] =	ssyncset.done $0x0  }
0x85: {  	s6 =	sadd.s32 $0x688, s4;
	[sflag:s12] =	ssyncadd.s32 $0xFFFFC000  }
0x86: {  	[tilespmem:s22], [sflag:$0x4] =	stream.indirect.gather [spmem:s2], $0x80, s6, s15, $0xb8;
	[tilespmem:$0x18E88] =	vst v63  }
0x87: {  	_ =	swait.ge [sflag:s19], $0x4000  }
0x88: {  	[sflag:s19] =	ssyncset.done $0x0  }
0x89: {  	s6 =	sadd.s32 $0x708, s4;
	[sflag:s19] =	ssyncadd.s32 $0xFFFFC000  }
0x8a: {  	[tilespmem:s24], [sflag:$0x5] =	stream.indirect.gather [spmem:s2], $0x80, s6, s15, $0xb8;
	[tilespmem:$0x18E88] =	vst v63  }
.Ltmp5:
0x8b: {  	_ = 	snop;
	(pc) =	sbr.rel .LBB2_4-.Ltmp5, $4  }
0x8c: {  	_ =	swait.ge [sflag:s21], $0x4000  }
0x8d: {  	s0 =	sadd.s32 $0xC00, s0;
	[sflag:s21] =	ssyncset.done $0x0  }
0x8e: {  	s9 =	sadd.s32 $0x3000, s9;
	s4 =	sadd.s32 $0x788, s4;
	[sflag:s21] =	ssyncadd.s32 $0xFFFFC000  }
0x8f: {  	[tilespmem:s26], [sflag:$0x6] =	stream.indirect.gather [spmem:s2], $0x80, s4, s15, $0xb8;
	[tilespmem:$0x18E88] =	vst v63  }
.LBB2_7:
0x90: {  	_ =	sfence.sel $0x180000  }
0x91: {  	[bflag:$0x0] =	sbarrier.arrive $0xFFFF  }
0x92: {  	_ =	strace $0x90000047  }
0x93: {  	[bflag:$0x2] =	sbarrier.arrive $0xFFFF  }
0x94: {  	s0 =	rddreg [dreg:$0x4]  }
0x95: {  	s0 =	sadd.s32 @!p0 $0x100000, s0  }
0x96: {  	[sflag:s0] =	ssyncadd.tile.s32 @!p0 $0x1;
	_ =	shalt  }
.Lfunc_end2:
_tile_overlayer_lowered:
.L_overlay_start_2:
0x97: {  	(tag) =	ssettag $0x2  }
0x98: {  	s0 =	rddreg [dreg:$0x0];
	s2 =	stileid.u32  }
0x99: {  	s1 =	rddreg [dreg:$0x1];
	p0 =	sne.s32 s2, $0x0  }
0x9a: {  	s3 =	rddreg [dreg:$0x2];
	[bflag:$0x3] =	sbarrier.arrive $0xFFFF;
	s2 =	simm.s32 @!p0 $0x1C0D  }
0x9b: {  	[timem:s3], [sflag:s2] =	dma.local @!p0 [hbm:s0], s1  }
0x9c: {  	s0 =	simm.s32 @!p0 $0xD  }
0x9d: {  	_ =	swait.ge @!p0 [sflag:s0], s1  }
0x9e: {  	s1 =	ssub.s32 @!p0 $0x0, s1;
	[sflag:s0] =	ssyncset.done @!p0 $0x0  }
0x9f: {  	[sflag:s0] =	ssyncadd.s32 @!p0 s1  }
0xa0: {  	[bflag:$0x3] =	sbarrier.arrive $0xFFFF  }
0xa1: {  	_ =	shalt  }

</sc_bundles>
